<compile_context>
chip_gen: v7x
topology: tpu7x:2x2x1
jax: 0.10.2.dev20260603
libtpu: 0.0.44.dev20260713+nightly
codegen_flags: <defaults>
</compile_context>

<pallas_src>
import functools

import jax
import jax.numpy as jnp
from jax import lax
from jax.experimental import pallas as pl
from jax.experimental.pallas import tpu as pltpu
from jax.experimental.pallas import tpu_sc as plsc

_NCLS = 19
_F = 256
_D = 10000
_BINS = 81
_NPIX = 8192
_DP = 10240
_CP = 32
_ROW = _NCLS * _BINS
_G = _DP // 16
_NWORK = 32
_GPW = _G // _NWORK
_SLAB = 1024
_FA = 264
_FX = 384
_NCHUNK = 1024
_DBLK = 2048
_EPS = 1e-12


def _stats_body(lab_ref, fa_ref, ftx_ref, out_ref):
    c = pl.program_id(0)
    w = (lab_ref[0:1, :] == c).astype(jnp.float32)
    ma = fa_ref[...] * w
    out_ref[0] = jnp.dot(ma, ftx_ref[...],
                         preferred_element_type=jnp.float32)


def _stage_a(lab8, fa, ftx):
    return pl.pallas_call(
        _stats_body,
        grid=(_NCLS,),
        in_specs=[
            pl.BlockSpec((8, _NPIX), lambda c: (0, 0)),
            pl.BlockSpec((_FA, _NPIX), lambda c: (0, 0)),
            pl.BlockSpec((_NPIX, _FX), lambda c: (0, 0)),
        ],
        out_specs=pl.BlockSpec((1, _FA, _FX), lambda c: (c, 0, 0)),
        out_shape=jax.ShapeDtypeStruct((_NCLS, _FA, _FX), jnp.float32),
    )(lab8, fa, ftx)


def _yt_body(ft_ref, v_ref, miu_ref, labb_ref, out_ref, acc_ref):
    c = pl.program_id(0)
    w = (labb_ref[:, 0:1] == c).astype(jnp.float32)
    x = (ft_ref[...] - miu_ref[0, 0:1, :]) * w
    contrib = jnp.dot(x, v_ref[0], preferred_element_type=jnp.float32)

    @pl.when(c == 0)
    def _():
        acc_ref[...] = contrib

    @pl.when(c > 0)
    def _():
        acc_ref[...] = acc_ref[...] + contrib

    @pl.when(c == _NCLS - 1)
    def _():
        out_ref[...] = acc_ref[...]


def _stage_yt(ft, v, miu_pad, labb):
    return pl.pallas_call(
        _yt_body,
        grid=(_NCLS,),
        in_specs=[
            pl.BlockSpec((_NPIX, _F), lambda c: (0, 0)),
            pl.BlockSpec((1, _F, _F), lambda c: (c, 0, 0)),
            pl.BlockSpec((1, 8, _F), lambda c: (c, 0, 0)),
            pl.BlockSpec((_NPIX, 128), lambda c: (0, 0)),
        ],
        out_specs=pl.BlockSpec((_NPIX, _F), lambda c: (0, 0)),
        out_shape=jax.ShapeDtypeStruct((_NPIX, _F), jnp.float32),
        scratch_shapes=[pltpu.VMEM((_NPIX, _F), jnp.float32)],
    )(ft, v, miu_pad, labb)


def _proj_body(yt_ref, pt_ref, lam_ref, pres_ref, lab8_ref, labb_ref,
               pos_ref, m2_ref, m4_ref, m2s_ref, m4s_ref):
    n = pl.program_id(1)
    var = jnp.dot(lam_ref[...], pt_ref[...] * pt_ref[...],
                  preferred_element_type=jnp.float32)
    invstd = pres_ref[:, 0:1] * lax.rsqrt(jnp.maximum(var, 1e-30))
    iota_c = lax.broadcasted_iota(jnp.int32, (_CP, _NCHUNK), 0)
    oh = (iota_c == lab8_ref[0:1, :]).astype(jnp.float32)
    zt = jnp.dot(yt_ref[...], pt_ref[...],
                 preferred_element_type=jnp.float32)
    scale = lax.dot_general(oh, invstd, (((0,), (0,)), ((), ())),
                            preferred_element_type=jnp.float32)
    zn = zt * scale
    p = jnp.minimum(jnp.clip(zn, -4.0, 4.0) * 10.0 + 40.0,
                    jnp.float32(79.9921875))
    pos_ref[...] = p + labb_ref[:, 0:1].astype(jnp.float32) * jnp.float32(_BINS)
    z2 = zn * zn
    m2c = jnp.dot(oh, z2, preferred_element_type=jnp.float32)
    m4c = jnp.dot(oh, z2 * z2, preferred_element_type=jnp.float32)

    @pl.when(n == 0)
    def _():
        m2s_ref[...] = m2c
        m4s_ref[...] = m4c

    @pl.when(n > 0)
    def _():
        m2s_ref[...] = m2s_ref[...] + m2c
        m4s_ref[...] = m4s_ref[...] + m4c

    @pl.when(n == (_NPIX // _NCHUNK) - 1)
    def _():
        m2_ref[...] = m2s_ref[...]
        m4_ref[...] = m4s_ref[...]


def _stage_proj(yt, pt, lam_pad, pres, lab8, labb):
    return pl.pallas_call(
        _proj_body,
        grid=(_DP // _DBLK, _NPIX // _NCHUNK),
        in_specs=[
            pl.BlockSpec((_NCHUNK, _F), lambda d, n: (n, 0)),
            pl.BlockSpec((_F, _DBLK), lambda d, n: (0, d)),
            pl.BlockSpec((_CP, _F), lambda d, n: (0, 0)),
            pl.BlockSpec((_CP, 128), lambda d, n: (0, 0)),
            pl.BlockSpec((8, _NCHUNK), lambda d, n: (0, n)),
            pl.BlockSpec((_NCHUNK, 128), lambda d, n: (n, 0)),
        ],
        out_specs=[
            pl.BlockSpec((_NCHUNK, _DBLK), lambda d, n: (n, d)),
            pl.BlockSpec((_CP, _DBLK), lambda d, n: (0, d)),
            pl.BlockSpec((_CP, _DBLK), lambda d, n: (0, d)),
        ],
        out_shape=[
            jax.ShapeDtypeStruct((_NPIX, _DP), jnp.float32),
            jax.ShapeDtypeStruct((_CP, _DP), jnp.float32),
            jax.ShapeDtypeStruct((_CP, _DP), jnp.float32),
        ],
        scratch_shapes=[pltpu.VMEM((_CP, _DBLK), jnp.float32),
                        pltpu.VMEM((_CP, _DBLK), jnp.float32)],
    )(yt, pt, lam_pad, pres, lab8, labb)


def _sc_hist_stage(pos):
    mesh = plsc.VectorSubcoreMesh(core_axis_name="c", subcore_axis_name="s")

    @functools.partial(
        pl.kernel, mesh=mesh,
        compiler_params=pltpu.CompilerParams(use_tc_tiling_on_sc=False,
                                             needs_layout_passes=False),
        out_type=jax.ShapeDtypeStruct((_G, 16 * _ROW), jnp.float32),
        scratch_types=[
            pltpu.VMEM((_SLAB, 16), jnp.float32),
            pltpu.VMEM((_SLAB, 16), jnp.float32),
            pltpu.VMEM((16 * _ROW,), jnp.float32),
            pltpu.SemaphoreType.DMA,
            pltpu.SemaphoreType.DMA,
        ],
    )
    def sc_hist(pos_hbm, out_hbm, slab_a, slab_b, hist_v, sem_a, sem_b):
        wid = lax.axis_index("s") * 2 + lax.axis_index("c")
        ibase = lax.iota(jnp.int32, 16) * _ROW
        zero16 = jnp.zeros((16,), jnp.float32)

        def proc(buf):
            @plsc.parallel_loop(0, _SLAB, unroll=16)
            def _pix(i):
                p = buf[i, :]
                ip = p.astype(jnp.int32)
                fr = p - ip.astype(jnp.float32)
                idx = ibase + ip
                plsc.addupdate_scatter(hist_v, [idx], 1.0 - fr)
                plsc.addupdate_scatter(hist_v, [idx + 1], fr)

        def group_body(j, carry):
            g = wid * _GPW + j

            @plsc.parallel_loop(0, _ROW, unroll=4)
            def _zero(k):
                hist_v[pl.ds(k * 16, 16)] = zero16

            def start(s, buf, sem):
                pltpu.async_copy(
                    pos_hbm.at[pl.ds(s * _SLAB, _SLAB), pl.ds(g * 16, 16)],
                    buf, sem)

            def wait(buf, sem):
                pltpu.make_async_copy(
                    pos_hbm.at[pl.ds(0, _SLAB), pl.ds(0, 16)],
                    buf, sem).wait()

            start(0, slab_a, sem_a)

            def dbuf_body(t, c2):
                wait(slab_a, sem_a)
                start(2 * t + 1, slab_b, sem_b)
                proc(slab_a)
                wait(slab_b, sem_b)

                @pl.when(t < (_NPIX // _SLAB) // 2 - 1)
                def _():
                    start(2 * t + 2, slab_a, sem_a)

                proc(slab_b)
                return c2

            lax.fori_loop(0, (_NPIX // _SLAB) // 2, dbuf_body, 0)
            pltpu.sync_copy(hist_v, out_hbm.at[g])
            return carry

        lax.fori_loop(0, _GPW, group_body, 0)

    return sc_hist(pos)


def _loss_body(h_ref, m2_ref, m4_ref, colinv_ref, colmask_ref,
               cinv_ref, cmask_ref, out_ref, acc_ref):
    i = pl.program_id(0)
    nsteps = pl.num_programs(0)
    t = jnp.float32(1.0 / _BINS)
    h = h_ref[...] * colinv_ref[0:1, :] - t
    ri = lax.broadcasted_iota(jnp.int32, h.shape, 0) + i * h.shape[0]
    rowmask = (ri < _D).astype(jnp.float32)
    sh = jnp.sum(h * h * colmask_ref[0:1, :] * rowmask)

    m2n = m2_ref[...] * cinv_ref[:, 0:1]
    m4n = m4_ref[...] * cinv_ref[:, 0:1]
    di = lax.broadcasted_iota(jnp.int32, m2n.shape, 1) + i * m2n.shape[1]
    msk = cmask_ref[:, 0:1] * (di < _D).astype(jnp.float32)
    kurt = m4n / (m2n * m2n + _EPS)
    sk = jnp.sum((kurt - 3.0) ** 2 * msk)
    sm = jnp.sum((m2n - 1.0) ** 2 * msk)

    r8 = lax.broadcasted_iota(jnp.int32, (8, 128), 0)
    c8 = lax.broadcasted_iota(jnp.int32, (8, 128), 1)
    z = jnp.zeros((8, 128), jnp.float32)
    contrib = (jnp.where((r8 == 0) & (c8 == 0), sh, z)
               + jnp.where((r8 == 0) & (c8 == 1), sk, z)
               + jnp.where((r8 == 0) & (c8 == 2), sm, z))

    @pl.when(i == 0)
    def _():
        acc_ref[...] = contrib

    @pl.when(i > 0)
    def _():
        acc_ref[...] = acc_ref[...] + contrib

    @pl.when(i == nsteps - 1)
    def _():
        out_ref[...] = acc_ref[...]


def _stage_loss(hmat, m2, m4, colinv, colmask, cinv, cmask):
    nrow = 1024
    return pl.pallas_call(
        _loss_body,
        grid=(_DP // nrow,),
        in_specs=[
            pl.BlockSpec((nrow, _ROW), lambda i: (i, 0)),
            pl.BlockSpec((_CP, nrow), lambda i: (0, i)),
            pl.BlockSpec((_CP, nrow), lambda i: (0, i)),
            pl.BlockSpec((8, _ROW), lambda i: (0, 0)),
            pl.BlockSpec((8, _ROW), lambda i: (0, 0)),
            pl.BlockSpec((_CP, 128), lambda i: (0, 0)),
            pl.BlockSpec((_CP, 128), lambda i: (0, 0)),
        ],
        out_specs=pl.BlockSpec((8, 128), lambda i: (0, 0)),
        out_shape=jax.ShapeDtypeStruct((8, 128), jnp.float32),
        scratch_shapes=[pltpu.VMEM((8, 128), jnp.float32)],
    )(hmat, m2, m4, colinv, colmask, cinv, cmask)


def kernel(feature, label, proj_mat):
    f = feature[0].reshape(_F, _NPIX)
    ft = f.T
    lab = label.reshape(_NPIX).astype(jnp.int32)
    lab8 = jnp.broadcast_to(lab[None, :], (8, _NPIX))
    labb = jnp.broadcast_to(lab[:, None], (_NPIX, 128))

    fa = jnp.zeros((_FA, _NPIX), jnp.float32)
    fa = fa.at[:_F].set(f).at[_F].set(1.0)
    ftx = jnp.zeros((_NPIX, _FX), jnp.float32)
    ftx = ftx.at[:, :_F].set(ft).at[:, _F].set(1.0)

    g = _stage_a(lab8, fa, ftx)
    n = g[:, _F, _F]
    s = g[:, _F, :_F]
    m2raw = g[:, :_F, :_F]

    n_safe = jnp.maximum(n, 1.0)
    present = (n > 0).astype(jnp.float32)
    miu = s / n_safe[:, None]
    m2mat = m2raw / n_safe[:, None, None]
    cov_eps = jnp.clip(1e-08 * 1000 / n_safe, 1e-08, 1e-05)
    eye = jnp.eye(_F, dtype=jnp.float32)
    cov = (m2mat - miu[:, :, None] * miu[:, None, :]
           + cov_eps[:, None, None] * eye[None])
    eigen_vals, eigen_vecs = jnp.linalg.eigh(cov[1:])
    order = jnp.argsort(eigen_vals, axis=-1)[:, ::-1]
    lam = jnp.maximum(jnp.take_along_axis(eigen_vals, order, axis=-1), 1e-12)
    v18 = jnp.take_along_axis(eigen_vecs, order[:, None, :], axis=-1)
    v = jnp.concatenate([jnp.zeros((1, _F, _F), jnp.float32), v18], axis=0)

    miu_pad = jnp.zeros((_NCLS, 8, _F), jnp.float32).at[:, 0, :].set(miu)
    yt = _stage_yt(ft, v, miu_pad, labb)

    pt = jnp.zeros((_F, _DP), jnp.float32).at[:, :_D].set(proj_mat.T)
    lam_pad = jnp.zeros((_CP, _F), jnp.float32).at[1:_NCLS].set(lam)
    presv = jnp.zeros((_CP,), jnp.float32).at[1:_NCLS].set(present[1:])
    pres = jnp.broadcast_to(presv[:, None], (_CP, 128))

    pos, m2, m4 = _stage_proj(yt, pt, lam_pad, pres, lab8, labb)

    hist = _sc_hist_stage(pos)
    hmat = hist.reshape(_DP, _ROW)

    inv_n = 1.0 / n_safe
    col_c = jnp.arange(_ROW) // _BINS
    colinv = jnp.broadcast_to(inv_n[col_c][None, :], (8, _ROW))
    colmask_v = (col_c >= 1).astype(jnp.float32) * present[col_c]
    colmask = jnp.broadcast_to(colmask_v[None, :], (8, _ROW))
    cinvv = jnp.zeros((_CP,), jnp.float32).at[:_NCLS].set(inv_n)
    cinv = jnp.broadcast_to(cinvv[:, None], (_CP, 128))
    cmask = pres

    out = _stage_loss(hmat, m2, m4, colinv, colmask, cinv, cmask)
    total = out[0, 0] + out[0, 1] + out[0, 2]
    active = jnp.sum(present[1:])
    denom = jnp.maximum(active, 1.0)
    return (total / jnp.float32(_D) / denom).astype(jnp.float32)

# --- scband reference (transcript-rebuilt; emitter-appended) ---
"""Pipeline reference for scband-histogram-loss-27839978013457 (READ-ONLY COPY).

The authoritative reference and input builder live on the scoring server;
editing this copy changes nothing except your own understanding.
"""

import jax, jax.numpy as jnp
import numpy as np

NUM_CLASSES = 19
FEATURES_NUM = 256
DIRECTIONS_NUM = 10000
BINS_NUM = 81
LOSS_WEIGHT = 1.0
EPSILON = 1e-12


def setup_inputs(seed: int = 0):
    key = jax.random.key(seed)
    k1, k2, k3 = jax.random.split(key, 3)
    feature = jax.random.normal(k1, (1, FEATURES_NUM, 64, 128), dtype=jnp.float32)
    label = jax.random.randint(k2, (1, 1, 64, 128), 0, NUM_CLASSES).astype(jnp.int64)
    proj_mat = jax.random.normal(k3, (DIRECTIONS_NUM, FEATURES_NUM), dtype=jnp.float32)
    proj_mat = proj_mat / jnp.sqrt(jnp.sum(proj_mat ** 2, axis=1, keepdims=True))
    return {"feature": feature, "label": label, "proj_mat": proj_mat}


def _soft_histogram(z, bins_vals, w, n):
    # differentiable (linear-interpolation) histogram via scatter-add
    D, ncols = z.shape
    bw = bins_vals[1] - bins_vals[0]
    pos = (jnp.clip(z, bins_vals[0], bins_vals[-1]) - bins_vals[0]) / bw
    lo = jnp.clip(jnp.floor(pos), 0, BINS_NUM - 2).astype(jnp.int32)
    frac = pos - lo.astype(z.dtype)
    d_idx = jnp.broadcast_to(jnp.arange(D, dtype=jnp.int32)[:, None], (D, ncols))
    hist = jnp.zeros((D, BINS_NUM), dtype=z.dtype)
    hist = hist.at[d_idx, lo].add((1.0 - frac) * w[None, :])
    hist = hist.at[d_idx, lo + 1].add(frac * w[None, :])
    return hist / n


def reference(feature, label, proj_mat):
    # label is already at feature resolution, so F.interpolate is the identity here
    bins_vals = jnp.linspace(-4.0, 4.0, BINS_NUM)
    hist_target = jnp.ones((BINS_NUM,), dtype=jnp.float32) / BINS_NUM
    flat_lab = label[0, 0].reshape(-1)
    feat_flat = feature[0].reshape(FEATURES_NUM, -1)
    loss_hist = jnp.asarray(0.0, dtype=jnp.float32)
    loss_kurtosis = jnp.asarray(0.0, dtype=jnp.float32)
    loss_moment2 = jnp.asarray(0.0, dtype=jnp.float32)
    active = jnp.asarray(0.0, dtype=jnp.float32)
    for c in range(1, NUM_CLASSES):
        w = (flat_lab == c).astype(jnp.float32)
        n = jnp.sum(w)
        present = (n > 0).astype(jnp.float32)
        n_safe = jnp.maximum(n, 1.0)
        feats = feat_flat * w[None, :]  # [F, N], masked class pixels
        feats_d = jax.lax.stop_gradient(feats)  # stats were .detach().cpu().numpy() in torch
        miu = jnp.sum(feats_d, axis=1) / n_safe
        m2mat = (feats_d @ feats_d.T) / n_safe
        cov_eps = jnp.clip(1e-08 * 1000 / n_safe, 1e-08, 1e-05)
        cov = m2mat - jnp.outer(miu, miu) + cov_eps * jnp.eye(FEATURES_NUM, dtype=jnp.float32)
        eigen_vals, eigen_vecs = jnp.linalg.eigh(cov)
        order = jnp.argsort(eigen_vals)[::-1]
        eigen_vals = jnp.maximum(eigen_vals[order], 1e-12)
        eigen_vecs = eigen_vecs[:, order]
        proj = eigen_vecs.T @ ((feat_flat - miu[:, None]) * w[None, :])
        var_curr = (proj_mat ** 2) @ eigen_vals
        std_curr = jnp.sqrt(var_curr)
        z = (proj_mat @ proj) / std_curr[:, None]  # [D, N] normalized projections
        hist = _soft_histogram(z, bins_vals, w, n_safe)
        loss_hist = loss_hist + present * jnp.sum((hist - hist_target[None, :]) ** 2) / DIRECTIONS_NUM
        m2 = jnp.sum(w[None, :] * z ** 2, axis=1) / n_safe
        m4 = jnp.sum(w[None, :] * z ** 4, axis=1) / n_safe
        kurt = m4 / (m2 ** 2 + EPSILON)
        loss_kurtosis = loss_kurtosis + present * jnp.mean((kurt - 3.0) ** 2)
        loss_moment2 = loss_moment2 + present * jnp.mean((m2 - 1.0) ** 2)
        active = active + present
    denom = jnp.maximum(active, 1.0)
    loss = LOSS_WEIGHT * (loss_hist + loss_kurtosis + loss_moment2) / denom
    return loss

if __name__ == "__main__":
    import jax
    _d = setup_inputs()
    print(jax.jit(kernel)(*tuple(_d.values())))

</pallas_src>

<mosaic_0001>
#map = affine_map<(d0, d1) -> (0, 0)>
module attributes {stable_mosaic.version = 14 : i64} {
  func.func @sc_hist(%arg0: i32, %arg1: i32, %arg2: memref<8192x10240xf32, #tpu.memory_space<hbm>>, %arg3: memref<640x24624xf32, #tpu.memory_space<hbm>>, %arg4: memref<1024x16xf32, #tpu.memory_space<vmem>>, %arg5: memref<1024x16xf32, #tpu.memory_space<vmem>>, %arg6: memref<24624xf32, #tpu.memory_space<vmem>>, %arg7: memref<!tpu.dma_semaphore, #tpu.memory_space<semaphore_mem>>, %arg8: memref<!tpu.dma_semaphore, #tpu.memory_space<semaphore_mem>>) attributes {dimension_semantics = [#tpu.dimension_semantics<core_parallel>, #tpu.dimension_semantics<subcore_parallel>], iteration_bounds = array<i64: 2, 16>, scalar_prefetch = 0 : i64, scratch_operands = 5 : i64, tpu.core_type = #tpu.core_type<sc_vector_subcore>, window_params = [{transform_indices = #map}, {transform_indices = #map}]} {
    %mul3A = arith.constant 2 : i32
    %mul3A_0 = arith.muli %arg1, %mul3A : i32
    %add3A = arith.addi %mul3A_0, %arg0 : i32
    %iota3A = tpu.iota {dimensions = array<i32: 0>} : vector<16xi32>
    %mul3A_1 = arith.constant 1539 : i32
    %mul3A_2 = vector.broadcast %mul3A_1 : i32 to vector<16xi32>
    %mul3A_3 = arith.muli %iota3A, %mul3A_2 : vector<16xi32>
    %broadcast_in_dim3A = arith.constant 0.000000e+00 : f32
    %broadcast_in_dim3A_4 = vector.broadcast %broadcast_in_dim3A : f32 to vector<16xf32>
    %scan3A = arith.constant 0 : i32
    %scan3A_5 = arith.constant 0 : i32
    %scan3A_6 = arith.constant 20 : i32
    %scan3A_7 = arith.addi %scan3A_5, %scan3A_6 : i32
    %scan3A_8 = arith.constant 1 : i32
    scf.for %scan3A_10 = %scan3A_5 to %scan3A_7 step %scan3A_8  : i32 {
      %mul3A_11 = arith.constant 20 : i32
      %mul3A_12 = arith.muli %add3A, %mul3A_11 : i32
      %add3A_13 = arith.addi %mul3A_12, %scan3A_10 : i32
      %parallel_loop3A = arith.constant 0 : i32
      %parallel_loop3A_14 = arith.constant 1539 : i32
      %parallel_loop3A_15 = arith.constant 1 : i32
      scf.for %parallel_loop3A_27 = %parallel_loop3A to %parallel_loop3A_14 step %parallel_loop3A_15  : i32 {
        %parallel_loop3A_28 = arith.constant 16 : i32
        %parallel_loop3A_29 = arith.muli %parallel_loop3A_27, %parallel_loop3A_28 : i32
        %parallel_loop3A_30 = arith.index_cast %parallel_loop3A_29 : i32 to index
        %parallel_loop3A_31 = tpu.vector_load %arg6[%parallel_loop3A_30] {strides = array<i32>} : memref<24624xf32, #tpu.memory_space<vmem>>, vector<16xf32>,
        tpu.vector_store %arg6[%parallel_loop3A_30], %broadcast_in_dim3A_4 {strides = array<i32>} : memref<24624xf32, #tpu.memory_space<vmem>>, vector<16xf32>,
      } {sc.loop_unroll_factor = 4 : i64, sc.parallel_access}
      %mul3A_16 = arith.constant 16 : i32
      %mul3A_17 = arith.muli %add3A_13, %mul3A_16 : i32
      %dma_start3A = arith.constant 0 : i32
      %dma_start3A_18 = tpu.memref_slice %arg2[%dma_start3A, %mul3A_17] : memref<8192x10240xf32, #tpu.memory_space<hbm>> -> memref<1024x16xf32, #tpu.memory_space<hbm>>
      %dma_start3A_19 = arith.constant 0 : i32
      %dma_start3A_20 = tpu.memref_slice %arg2[%dma_start3A_19, %mul3A_17] : memref<8192x10240xf32, #tpu.memory_space<hbm>> -> memref<1024x16xf32, #tpu.memory_space<hbm>>
      tpu.enqueue_dma source(%dma_start3A_20 : memref<1024x16xf32, #tpu.memory_space<hbm>>) target(%arg4 : memref<1024x16xf32, #tpu.memory_space<vmem>>) target_semaphore(%arg7 : memref<!tpu.dma_semaphore, #tpu.memory_space<semaphore_mem>>)
      %scan3A_21 = arith.constant 0 : i32
      %scan3A_22 = arith.constant 0 : i32
      %scan3A_23 = arith.constant 4 : i32
      %scan3A_24 = arith.addi %scan3A_22, %scan3A_23 : i32
      %scan3A_25 = arith.constant 1 : i32
      scf.for %scan3A_27 = %scan3A_22 to %scan3A_24 step %scan3A_25  : i32 {
        %dma_wait3A = arith.constant 0 : i32
        %dma_wait3A_28 = arith.constant 0 : i32
        %dma_wait3A_29 = tpu.memref_slice %arg2[%dma_wait3A, %dma_wait3A_28] : memref<8192x10240xf32, #tpu.memory_space<hbm>> -> memref<1024x16xf32, #tpu.memory_space<hbm>>
        %dma_wait3A_30 = arith.constant 0 : i32
        %dma_wait3A_31 = arith.constant 0 : i32
        %dma_wait3A_32 = tpu.memref_slice %arg2[%dma_wait3A_30, %dma_wait3A_31] : memref<8192x10240xf32, #tpu.memory_space<hbm>> -> memref<1024x16xf32, #tpu.memory_space<hbm>>
        tpu.wait_dma2 semaphore(%arg7 : memref<!tpu.dma_semaphore, #tpu.memory_space<semaphore_mem>>) src(%dma_wait3A_32 : memref<1024x16xf32, #tpu.memory_space<hbm>>) dst(%arg4 : memref<1024x16xf32, #tpu.memory_space<vmem>>)
        %mul3A_33 = arith.constant 2 : i32
        %mul3A_34 = arith.muli %mul3A_33, %scan3A_27 : i32
        %add3A_35 = arith.constant 1 : i32
        %add3A_36 = arith.addi %mul3A_34, %add3A_35 : i32
        %mul3A_37 = arith.constant 1024 : i32
        %mul3A_38 = arith.muli %add3A_36, %mul3A_37 : i32
        %mul3A_39 = arith.constant 16 : i32
        %mul3A_40 = arith.muli %add3A_13, %mul3A_39 : i32
        %dma_start3A_41 = tpu.memref_slice %arg2[%mul3A_38, %mul3A_40] : memref<8192x10240xf32, #tpu.memory_space<hbm>> -> memref<1024x16xf32, #tpu.memory_space<hbm>>
        %dma_start3A_42 = tpu.memref_slice %arg2[%mul3A_38, %mul3A_40] : memref<8192x10240xf32, #tpu.memory_space<hbm>> -> memref<1024x16xf32, #tpu.memory_space<hbm>>
        tpu.enqueue_dma source(%dma_start3A_42 : memref<1024x16xf32, #tpu.memory_space<hbm>>) target(%arg5 : memref<1024x16xf32, #tpu.memory_space<vmem>>) target_semaphore(%arg8 : memref<!tpu.dma_semaphore, #tpu.memory_space<semaphore_mem>>)
        %parallel_loop3A_43 = arith.constant 0 : i32
        %parallel_loop3A_44 = arith.constant 1024 : i32
        %parallel_loop3A_45 = arith.constant 1 : i32
        scf.for %parallel_loop3A_57 = %parallel_loop3A_43 to %parallel_loop3A_44 step %parallel_loop3A_45  : i32 {
          %parallel_loop3A_58 = arith.index_cast %parallel_loop3A_57 : i32 to index
          %parallel_loop3A_59 = arith.constant 0 : index
          %parallel_loop3A_60 = tpu.vector_load %arg4[%parallel_loop3A_58, %parallel_loop3A_59] {strides = array<i32>} : memref<1024x16xf32, #tpu.memory_space<vmem>>, vector<16xf32>,
          %parallel_loop3A_61 = arith.fptosi %parallel_loop3A_60 : vector<16xf32> to vector<16xi32>
          %parallel_loop3A_62 = arith.sitofp %parallel_loop3A_61 : vector<16xi32> to vector<16xf32>
          %parallel_loop3A_63 = arith.subf %parallel_loop3A_60, %parallel_loop3A_62 : vector<16xf32>
          %parallel_loop3A_64 = arith.addi %mul3A_3, %parallel_loop3A_61 : vector<16xi32>
          %parallel_loop3A_65 = arith.constant 1.000000e+00 : f32
          %parallel_loop3A_66 = vector.broadcast %parallel_loop3A_65 : f32 to vector<16xf32>
          %parallel_loop3A_67 = arith.subf %parallel_loop3A_66, %parallel_loop3A_63 : vector<16xf32>
          tpu.vector_store_idx %arg6[%parallel_loop3A_64], %parallel_loop3A_67 {add = true} : memref<24624xf32, #tpu.memory_space<vmem>>[vector<16xi32>], vector<16xf32>,
          %parallel_loop3A_68 = arith.constant 1 : i32
          %parallel_loop3A_69 = vector.broadcast %parallel_loop3A_68 : i32 to vector<16xi32>
          %parallel_loop3A_70 = arith.addi %parallel_loop3A_64, %parallel_loop3A_69 : vector<16xi32>
          tpu.vector_store_idx %arg6[%parallel_loop3A_70], %parallel_loop3A_63 {add = true} : memref<24624xf32, #tpu.memory_space<vmem>>[vector<16xi32>], vector<16xf32>,
        } {sc.loop_unroll_factor = 16 : i64, sc.parallel_access}
        %dma_wait3A_46 = arith.constant 0 : i32
        %dma_wait3A_47 = arith.constant 0 : i32
        %dma_wait3A_48 = tpu.memref_slice %arg2[%dma_wait3A_46, %dma_wait3A_47] : memref<8192x10240xf32, #tpu.memory_space<hbm>> -> memref<1024x16xf32, #tpu.memory_space<hbm>>
        %dma_wait3A_49 = arith.constant 0 : i32
        %dma_wait3A_50 = arith.constant 0 : i32
        %dma_wait3A_51 = tpu.memref_slice %arg2[%dma_wait3A_49, %dma_wait3A_50] : memref<8192x10240xf32, #tpu.memory_space<hbm>> -> memref<1024x16xf32, #tpu.memory_space<hbm>>
        tpu.wait_dma2 semaphore(%arg8 : memref<!tpu.dma_semaphore, #tpu.memory_space<semaphore_mem>>) src(%dma_wait3A_51 : memref<1024x16xf32, #tpu.memory_space<hbm>>) dst(%arg5 : memref<1024x16xf32, #tpu.memory_space<vmem>>)
        %lt3A = arith.constant 3 : i32
        %lt3A_52 = arith.cmpi slt, %scan3A_27, %lt3A : i32
        %convert_element_type3A = arith.extui %lt3A_52 : i1 to i32
        %cond3A = arith.constant 0 : i32
        %cond3A_53 = arith.cmpi ne, %convert_element_type3A, %cond3A : i32
        scf.if %cond3A_53 {
          %mul3A_57 = arith.constant 2 : i32
          %mul3A_58 = arith.muli %mul3A_57, %scan3A_27 : i32
          %add3A_59 = arith.constant 2 : i32
          %add3A_60 = arith.addi %mul3A_58, %add3A_59 : i32
          %mul3A_61 = arith.constant 1024 : i32
          %mul3A_62 = arith.muli %add3A_60, %mul3A_61 : i32
          %mul3A_63 = arith.constant 16 : i32
          %mul3A_64 = arith.muli %add3A_13, %mul3A_63 : i32
          %dma_start3A_65 = tpu.memref_slice %arg2[%mul3A_62, %mul3A_64] : memref<8192x10240xf32, #tpu.memory_space<hbm>> -> memref<1024x16xf32, #tpu.memory_space<hbm>>
          %dma_start3A_66 = tpu.memref_slice %arg2[%mul3A_62, %mul3A_64] : memref<8192x10240xf32, #tpu.memory_space<hbm>> -> memref<1024x16xf32, #tpu.memory_space<hbm>>
          tpu.enqueue_dma source(%dma_start3A_66 : memref<1024x16xf32, #tpu.memory_space<hbm>>) target(%arg4 : memref<1024x16xf32, #tpu.memory_space<vmem>>) target_semaphore(%arg7 : memref<!tpu.dma_semaphore, #tpu.memory_space<semaphore_mem>>)
        } else {
        }
        %parallel_loop3A_54 = arith.constant 0 : i32
        %parallel_loop3A_55 = arith.constant 1024 : i32
        %parallel_loop3A_56 = arith.constant 1 : i32
        scf.for %parallel_loop3A_57 = %parallel_loop3A_54 to %parallel_loop3A_55 step %parallel_loop3A_56  : i32 {
          %parallel_loop3A_58 = arith.index_cast %parallel_loop3A_57 : i32 to index
          %parallel_loop3A_59 = arith.constant 0 : index
          %parallel_loop3A_60 = tpu.vector_load %arg5[%parallel_loop3A_58, %parallel_loop3A_59] {strides = array<i32>} : memref<1024x16xf32, #tpu.memory_space<vmem>>, vector<16xf32>,
          %parallel_loop3A_61 = arith.fptosi %parallel_loop3A_60 : vector<16xf32> to vector<16xi32>
          %parallel_loop3A_62 = arith.sitofp %parallel_loop3A_61 : vector<16xi32> to vector<16xf32>
          %parallel_loop3A_63 = arith.subf %parallel_loop3A_60, %parallel_loop3A_62 : vector<16xf32>
          %parallel_loop3A_64 = arith.addi %mul3A_3, %parallel_loop3A_61 : vector<16xi32>
          %parallel_loop3A_65 = arith.constant 1.000000e+00 : f32
          %parallel_loop3A_66 = vector.broadcast %parallel_loop3A_65 : f32 to vector<16xf32>
          %parallel_loop3A_67 = arith.subf %parallel_loop3A_66, %parallel_loop3A_63 : vector<16xf32>
          tpu.vector_store_idx %arg6[%parallel_loop3A_64], %parallel_loop3A_67 {add = true} : memref<24624xf32, #tpu.memory_space<vmem>>[vector<16xi32>], vector<16xf32>,
          %parallel_loop3A_68 = arith.constant 1 : i32
          %parallel_loop3A_69 = vector.broadcast %parallel_loop3A_68 : i32 to vector<16xi32>
          %parallel_loop3A_70 = arith.addi %parallel_loop3A_64, %parallel_loop3A_69 : vector<16xi32>
          tpu.vector_store_idx %arg6[%parallel_loop3A_70], %parallel_loop3A_63 {add = true} : memref<24624xf32, #tpu.memory_space<vmem>>[vector<16xi32>], vector<16xf32>,
        } {sc.loop_unroll_factor = 16 : i64, sc.parallel_access}
      }
      %scan3A_26 = arith.constant 4 : i32
      "tpu.region"() ({
        %run_scoped3A = tpu.sem_alloc : memref<!tpu.dma_semaphore, #tpu.memory_space<semaphore_mem>>
        %dma_start3A_27 = arith.constant 0 : i32
        %dma_start3A_28 = tpu.memref_slice %arg3[%add3A_13, %dma_start3A_27] : memref<640x24624xf32, #tpu.memory_space<hbm>> -> memref<1x24624xf32, #tpu.memory_space<hbm>>
        %dma_start3A_29 = tpu.memref_squeeze %dma_start3A_28 : memref<1x24624xf32, #tpu.memory_space<hbm>> -> memref<24624xf32, #tpu.memory_space<hbm>>
        %dma_start3A_30 = arith.constant 0 : i32
        %dma_start3A_31 = tpu.memref_slice %arg3[%add3A_13, %dma_start3A_30] : memref<640x24624xf32, #tpu.memory_space<hbm>> -> memref<1x24624xf32, #tpu.memory_space<hbm>>
        %dma_start3A_32 = tpu.memref_squeeze %dma_start3A_31 : memref<1x24624xf32, #tpu.memory_space<hbm>> -> memref<24624xf32, #tpu.memory_space<hbm>>
        tpu.enqueue_dma source(%arg6 : memref<24624xf32, #tpu.memory_space<vmem>>) target(%dma_start3A_32 : memref<24624xf32, #tpu.memory_space<hbm>>) target_semaphore(%run_scoped3A : memref<!tpu.dma_semaphore, #tpu.memory_space<semaphore_mem>>)
        %dma_wait3A = arith.constant 0 : i32
        %dma_wait3A_33 = tpu.memref_slice %arg3[%add3A_13, %dma_wait3A] : memref<640x24624xf32, #tpu.memory_space<hbm>> -> memref<1x24624xf32, #tpu.memory_space<hbm>>
        %dma_wait3A_34 = tpu.memref_squeeze %dma_wait3A_33 : memref<1x24624xf32, #tpu.memory_space<hbm>> -> memref<24624xf32, #tpu.memory_space<hbm>>
        %dma_wait3A_35 = arith.constant 0 : i32
        %dma_wait3A_36 = tpu.memref_slice %arg3[%add3A_13, %dma_wait3A_35] : memref<640x24624xf32, #tpu.memory_space<hbm>> -> memref<1x24624xf32, #tpu.memory_space<hbm>>
        %dma_wait3A_37 = tpu.memref_squeeze %dma_wait3A_36 : memref<1x24624xf32, #tpu.memory_space<hbm>> -> memref<24624xf32, #tpu.memory_space<hbm>>
        tpu.wait_dma2 semaphore(%run_scoped3A : memref<!tpu.dma_semaphore, #tpu.memory_space<semaphore_mem>>) src(%arg6 : memref<24624xf32, #tpu.memory_space<vmem>>) dst(%dma_wait3A_37 : memref<24624xf32, #tpu.memory_space<hbm>>)
        tpu.yield
      }) : () -> ()
    }
    %scan3A_9 = arith.constant 20 : i32
    return
  }
}

module attributes {stable_mosaic.version = 14 : i64} {
  func.func @_stats_body(%arg0: i32, %arg1: memref<8x8192xi32, #tpu.memory_space<vmem>>, %arg2: memref<264x8192xf32, #tpu.memory_space<vmem>>, %arg3: memref<8192x384xf32, #tpu.memory_space<vmem>>, %arg4: memref<1x264x384xf32, #tpu.memory_space<vmem>>) attributes {dimension_semantics = [#tpu.dimension_semantics<arbitrary>], iteration_bounds = array<i64: 19>, scalar_prefetch = 0 : i64, scratch_operands = 0 : i64, tpu.core_type = #tpu.core_type<tc>, window_params = [{pipeline_mode = #tpu.pipeline_mode<synchronous>, transform_indices = @transform_0, window_bounds = array<i64: 8, 8192>}, {pipeline_mode = #tpu.pipeline_mode<synchronous>, transform_indices = @transform_1, window_bounds = array<i64: 264, 8192>}, {pipeline_mode = #tpu.pipeline_mode<synchronous>, transform_indices = @transform_2, window_bounds = array<i64: 8192, 384>}, {transform_indices = @transform_3, window_bounds = array<i64: 1, 264, 384>}]} {
    %get3A = arith.constant 0 : index
    %get3A_0 = arith.constant 0 : index
    %get3A_1 = vector.load %arg1[%get3A, %get3A_0] : memref<8x8192xi32, #tpu.memory_space<vmem>>, vector<1x8192xi32>
    %eq3A = vector.broadcast %arg0 : i32 to vector<1x8192xi32>
    %eq3A_2 = arith.cmpi eq, %get3A_1, %eq3A : vector<1x8192xi32>
    %convert_element_type3A = arith.extui %eq3A_2 : vector<1x8192xi1> to vector<1x8192xi32>
    %convert_element_type3A_3 = arith.sitofp %convert_element_type3A : vector<1x8192xi32> to vector<1x8192xf32>
    %get3A_4 = arith.constant 0 : index
    %get3A_5 = arith.constant 0 : index
    %get3A_6 = vector.load %arg2[%get3A_4, %get3A_5] : memref<264x8192xf32, #tpu.memory_space<vmem>>, vector<264x8192xf32>
    %mul3A = vector.broadcast %convert_element_type3A_3 : vector<1x8192xf32> to vector<264x8192xf32>
    %mul3A_7 = arith.mulf %get3A_6, %mul3A : vector<264x8192xf32>
    %get3A_8 = arith.constant 0 : index
    %get3A_9 = arith.constant 0 : index
    %get3A_10 = vector.load %arg3[%get3A_8, %get3A_9] : memref<8192x384xf32, #tpu.memory_space<vmem>>, vector<8192x384xf32>
    %dot_general3A = arith.constant dense<0.000000e+00> : vector<264x384xf32>
    %dot_general3A_11 = tpu.matmul %mul3A_7, %get3A_10, %dot_general3A {dimension_numbers = #tpu.dot_dimension_numbers<[1], [0], [0], [1], [0, 0, 1, 1], [], []>, transpose_lhs_hint = false} : vector<264x8192xf32>, vector<8192x384xf32>, vector<264x384xf32> -> vector<264x384xf32>
    %swap3A = arith.constant 0 : index
    %swap3A_12 = arith.constant 0 : index
    %swap3A_13 = arith.constant 0 : index
    %swap3A_14 = vector.load %arg4[%swap3A, %swap3A_12, %swap3A_13] : memref<1x264x384xf32, #tpu.memory_space<vmem>>, vector<1x264x384xf32>
    %swap3A_15 = vector.shape_cast %swap3A_14 : vector<1x264x384xf32> to vector<264x384xf32>
    %swap3A_16 = vector.shape_cast %dot_general3A_11 : vector<264x384xf32> to vector<1x264x384xf32>
    tpu.vector_store %arg4[%swap3A, %swap3A_12, %swap3A_13], %swap3A_16 {strides = array<i32>} : memref<1x264x384xf32, #tpu.memory_space<vmem>>, vector<1x264x384xf32>,
    return
  }
  func.func @transform_0(%arg0: i32) -> (i32, i32) {
    %c0_i32 = arith.constant 0 : i32
    %c0_i32_0 = arith.constant 0 : i32
    %c0_i32_1 = arith.constant 0 : i32
    return %c0_i32, %c0_i32_0 : i32, i32
  }
  func.func @transform_1(%arg0: i32) -> (i32, i32) {
    %c0_i32 = arith.constant 0 : i32
    %c0_i32_0 = arith.constant 0 : i32
    %c0_i32_1 = arith.constant 0 : i32
    return %c0_i32, %c0_i32_0 : i32, i32
  }
  func.func @transform_2(%arg0: i32) -> (i32, i32) {
    %c0_i32 = arith.constant 0 : i32
    %c0_i32_0 = arith.constant 0 : i32
    %c0_i32_1 = arith.constant 0 : i32
    return %c0_i32, %c0_i32_0 : i32, i32
  }
  func.func @transform_3(%arg0: i32) -> (i32, i32, i32) {
    %c0_i32 = arith.constant 0 : i32
    %c0_i32_0 = arith.constant 0 : i32
    %c0_i32_1 = arith.constant 0 : i32
    return %arg0, %c0_i32, %c0_i32_0 : i32, i32, i32
  }
}

module attributes {stable_mosaic.version = 14 : i64} {
  func.func @_yt_body(%arg0: i32, %arg1: memref<8192x256xf32, #tpu.memory_space<vmem>>, %arg2: memref<1x256x256xf32, #tpu.memory_space<vmem>>, %arg3: memref<1x8x256xf32, #tpu.memory_space<vmem>>, %arg4: memref<8192x128xi32, #tpu.memory_space<vmem>>, %arg5: memref<8192x256xf32, #tpu.memory_space<vmem>>, %arg6: memref<8192x256xf32, #tpu.memory_space<vmem>>) attributes {dimension_semantics = [#tpu.dimension_semantics<arbitrary>], iteration_bounds = array<i64: 19>, scalar_prefetch = 0 : i64, scratch_operands = 1 : i64, tpu.core_type = #tpu.core_type<tc>, window_params = [{pipeline_mode = #tpu.pipeline_mode<synchronous>, transform_indices = @transform_0, window_bounds = array<i64: 8192, 256>}, {transform_indices = @transform_1, window_bounds = array<i64: 1, 256, 256>}, {transform_indices = @transform_2, window_bounds = array<i64: 1, 8, 256>}, {pipeline_mode = #tpu.pipeline_mode<synchronous>, transform_indices = @transform_3, window_bounds = array<i64: 8192, 128>}, {pipeline_mode = #tpu.pipeline_mode<synchronous>, transform_indices = @transform_4, window_bounds = array<i64: 8192, 256>}]} {
    %get3A = arith.constant 0 : index
    %get3A_0 = arith.constant 0 : index
    %get3A_1 = vector.load %arg4[%get3A, %get3A_0] : memref<8192x128xi32, #tpu.memory_space<vmem>>, vector<8192x1xi32>
    %eq3A = vector.broadcast %arg0 : i32 to vector<8192x1xi32>
    %eq3A_2 = arith.cmpi eq, %get3A_1, %eq3A : vector<8192x1xi32>
    %convert_element_type3A = arith.extui %eq3A_2 : vector<8192x1xi1> to vector<8192x1xi32>
    %convert_element_type3A_3 = arith.sitofp %convert_element_type3A : vector<8192x1xi32> to vector<8192x1xf32>
    %get3A_4 = arith.constant 0 : index
    %get3A_5 = arith.constant 0 : index
    %get3A_6 = vector.load %arg1[%get3A_4, %get3A_5] : memref<8192x256xf32, #tpu.memory_space<vmem>>, vector<8192x256xf32>
    %get3A_7 = arith.constant 0 : index
    %get3A_8 = arith.constant 0 : index
    %get3A_9 = arith.constant 0 : index
    %get3A_10 = vector.load %arg3[%get3A_7, %get3A_8, %get3A_9] : memref<1x8x256xf32, #tpu.memory_space<vmem>>, vector<1x1x256xf32>
    %get3A_11 = vector.shape_cast %get3A_10 : vector<1x1x256xf32> to vector<1x256xf32>
    %sub3A = vector.broadcast %get3A_11 : vector<1x256xf32> to vector<8192x256xf32>
    %sub3A_12 = arith.subf %get3A_6, %sub3A : vector<8192x256xf32>
    %mul3A = vector.broadcast %convert_element_type3A_3 : vector<8192x1xf32> to vector<8192x256xf32>
    %mul3A_13 = arith.mulf %sub3A_12, %mul3A : vector<8192x256xf32>
    %get3A_14 = arith.constant 0 : index
    %get3A_15 = arith.constant 0 : index
    %get3A_16 = arith.constant 0 : index
    %get3A_17 = vector.load %arg2[%get3A_14, %get3A_15, %get3A_16] : memref<1x256x256xf32, #tpu.memory_space<vmem>>, vector<1x256x256xf32>
    %get3A_18 = vector.shape_cast %get3A_17 : vector<1x256x256xf32> to vector<256x256xf32>
    %dot_general3A = arith.constant dense<0.000000e+00> : vector<8192x256xf32>
    %dot_general3A_19 = tpu.matmul %mul3A_13, %get3A_18, %dot_general3A {dimension_numbers = #tpu.dot_dimension_numbers<[1], [0], [0], [1], [0, 0, 1, 1], [], []>, transpose_lhs_hint = false} : vector<8192x256xf32>, vector<256x256xf32>, vector<8192x256xf32> -> vector<8192x256xf32>
    %eq3A_20 = arith.constant 0 : i32
    %eq3A_21 = arith.cmpi eq, %arg0, %eq3A_20 : i32
    %convert_element_type3A_22 = arith.extui %eq3A_21 : i1 to i32
    %cond3A = arith.constant 0 : i32
    %cond3A_23 = arith.cmpi ne, %convert_element_type3A_22, %cond3A : i32
    scf.if %cond3A_23 {
      %swap3A = arith.constant 0 : index
      %swap3A_33 = arith.constant 0 : index
      %swap3A_34 = vector.load %arg6[%swap3A, %swap3A_33] : memref<8192x256xf32, #tpu.memory_space<vmem>>, vector<8192x256xf32>
      tpu.vector_store %arg6[%swap3A, %swap3A_33], %dot_general3A_19 {strides = array<i32>} : memref<8192x256xf32, #tpu.memory_space<vmem>>, vector<8192x256xf32>,
    } else {
    }
    %gt3A = arith.constant 0 : i32
    %gt3A_24 = arith.cmpi sgt, %arg0, %gt3A : i32
    %convert_element_type3A_25 = arith.extui %gt3A_24 : i1 to i32
    %cond3A_26 = arith.constant 0 : i32
    %cond3A_27 = arith.cmpi ne, %convert_element_type3A_25, %cond3A_26 : i32
    scf.if %cond3A_27 {
      %get3A_33 = arith.constant 0 : index
      %get3A_34 = arith.constant 0 : index
      %get3A_35 = vector.load %arg6[%get3A_33, %get3A_34] : memref<8192x256xf32, #tpu.memory_space<vmem>>, vector<8192x256xf32>
      %add3A = arith.addf %get3A_35, %dot_general3A_19 : vector<8192x256xf32>
      %swap3A = arith.constant 0 : index
      %swap3A_36 = arith.constant 0 : index
      %swap3A_37 = vector.load %arg6[%swap3A, %swap3A_36] : memref<8192x256xf32, #tpu.memory_space<vmem>>, vector<8192x256xf32>
      tpu.vector_store %arg6[%swap3A, %swap3A_36], %add3A {strides = array<i32>} : memref<8192x256xf32, #tpu.memory_space<vmem>>, vector<8192x256xf32>,
    } else {
    }
    %eq3A_28 = arith.constant 18 : i32
    %eq3A_29 = arith.cmpi eq, %arg0, %eq3A_28 : i32
    %convert_element_type3A_30 = arith.extui %eq3A_29 : i1 to i32
    %cond3A_31 = arith.constant 0 : i32
    %cond3A_32 = arith.cmpi ne, %convert_element_type3A_30, %cond3A_31 : i32
    scf.if %cond3A_32 {
      %get3A_33 = arith.constant 0 : index
      %get3A_34 = arith.constant 0 : index
      %get3A_35 = vector.load %arg6[%get3A_33, %get3A_34] : memref<8192x256xf32, #tpu.memory_space<vmem>>, vector<8192x256xf32>
      %swap3A = arith.constant 0 : index
      %swap3A_36 = arith.constant 0 : index
      %swap3A_37 = vector.load %arg5[%swap3A, %swap3A_36] : memref<8192x256xf32, #tpu.memory_space<vmem>>, vector<8192x256xf32>
      tpu.vector_store %arg5[%swap3A, %swap3A_36], %get3A_35 {strides = array<i32>} : memref<8192x256xf32, #tpu.memory_space<vmem>>, vector<8192x256xf32>,
    } else {
    }
    return
  }
  func.func @transform_0(%arg0: i32) -> (i32, i32) {
    %c0_i32 = arith.constant 0 : i32
    %c0_i32_0 = arith.constant 0 : i32
    %c0_i32_1 = arith.constant 0 : i32
    return %c0_i32, %c0_i32_0 : i32, i32
  }
  func.func @transform_1(%arg0: i32) -> (i32, i32, i32) {
    %c0_i32 = arith.constant 0 : i32
    %c0_i32_0 = arith.constant 0 : i32
    %c0_i32_1 = arith.constant 0 : i32
    return %arg0, %c0_i32, %c0_i32_0 : i32, i32, i32
  }
  func.func @transform_2(%arg0: i32) -> (i32, i32, i32) {
    %c0_i32 = arith.constant 0 : i32
    %c0_i32_0 = arith.constant 0 : i32
    %c0_i32_1 = arith.constant 0 : i32
    return %arg0, %c0_i32, %c0_i32_0 : i32, i32, i32
  }
  func.func @transform_3(%arg0: i32) -> (i32, i32) {
    %c0_i32 = arith.constant 0 : i32
    %c0_i32_0 = arith.constant 0 : i32
    %c0_i32_1 = arith.constant 0 : i32
    return %c0_i32, %c0_i32_0 : i32, i32
  }
  func.func @transform_4(%arg0: i32) -> (i32, i32) {
    %c0_i32 = arith.constant 0 : i32
    %c0_i32_0 = arith.constant 0 : i32
    %c0_i32_1 = arith.constant 0 : i32
    return %c0_i32, %c0_i32_0 : i32, i32
  }
}

module attributes {stable_mosaic.version = 14 : i64} {
  func.func @_proj_body(%arg0: i32, %arg1: i32, %arg2: memref<1024x256xf32, #tpu.memory_space<vmem>>, %arg3: memref<256x2048xf32, #tpu.memory_space<vmem>>, %arg4: memref<32x256xf32, #tpu.memory_space<vmem>>, %arg5: memref<32x128xf32, #tpu.memory_space<vmem>>, %arg6: memref<8x1024xi32, #tpu.memory_space<vmem>>, %arg7: memref<1024x128xi32, #tpu.memory_space<vmem>>, %arg8: memref<1024x2048xf32, #tpu.memory_space<vmem>>, %arg9: memref<32x2048xf32, #tpu.memory_space<vmem>>, %arg10: memref<32x2048xf32, #tpu.memory_space<vmem>>, %arg11: memref<32x2048xf32, #tpu.memory_space<vmem>>, %arg12: memref<32x2048xf32, #tpu.memory_space<vmem>>) attributes {dimension_semantics = [#tpu.dimension_semantics<arbitrary>, #tpu.dimension_semantics<arbitrary>], iteration_bounds = array<i64: 5, 8>, scalar_prefetch = 0 : i64, scratch_operands = 2 : i64, tpu.core_type = #tpu.core_type<tc>, window_params = [{transform_indices = @transform_0, window_bounds = array<i64: 1024, 256>}, {transform_indices = @transform_1, window_bounds = array<i64: 256, 2048>}, {pipeline_mode = #tpu.pipeline_mode<synchronous>, transform_indices = @transform_2, window_bounds = array<i64: 32, 256>}, {pipeline_mode = #tpu.pipeline_mode<synchronous>, transform_indices = @transform_3, window_bounds = array<i64: 32, 128>}, {transform_indices = @transform_4, window_bounds = array<i64: 8, 1024>}, {transform_indices = @transform_5, window_bounds = array<i64: 1024, 128>}, {transform_indices = @transform_6, window_bounds = array<i64: 1024, 2048>}, {transform_indices = @transform_7, window_bounds = array<i64: 32, 2048>}, {transform_indices = @transform_8, window_bounds = array<i64: 32, 2048>}]} {
    %get3A = arith.constant 0 : index
    %get3A_0 = arith.constant 0 : index
    %get3A_1 = vector.load %arg4[%get3A, %get3A_0] : memref<32x256xf32, #tpu.memory_space<vmem>>, vector<32x256xf32>
    %get3A_2 = arith.constant 0 : index
    %get3A_3 = arith.constant 0 : index
    %get3A_4 = vector.load %arg3[%get3A_2, %get3A_3] : memref<256x2048xf32, #tpu.memory_space<vmem>>, vector<256x2048xf32>
    %get3A_5 = arith.constant 0 : index
    %get3A_6 = arith.constant 0 : index
    %get3A_7 = vector.load %arg3[%get3A_5, %get3A_6] : memref<256x2048xf32, #tpu.memory_space<vmem>>, vector<256x2048xf32>
    %mul3A = arith.mulf %get3A_4, %get3A_7 : vector<256x2048xf32>
    %dot_general3A = arith.constant dense<0.000000e+00> : vector<32x2048xf32>
    %dot_general3A_8 = tpu.matmul %get3A_1, %mul3A, %dot_general3A {dimension_numbers = #tpu.dot_dimension_numbers<[1], [0], [0], [1], [0, 0, 1, 1], [], []>, transpose_lhs_hint = false} : vector<32x256xf32>, vector<256x2048xf32>, vector<32x2048xf32> -> vector<32x2048xf32>
    %get3A_9 = arith.constant 0 : index
    %get3A_10 = arith.constant 0 : index
    %get3A_11 = vector.load %arg5[%get3A_9, %get3A_10] : memref<32x128xf32, #tpu.memory_space<vmem>>, vector<32x1xf32>
    %max3A = arith.constant 1.000000e-30 : f32
    %max3A_12 = vector.broadcast %max3A : f32 to vector<32x2048xf32>
    %max3A_13 = arith.maximumf %dot_general3A_8, %max3A_12 : vector<32x2048xf32>
    %rsqrt3A = math.rsqrt %max3A_13 : vector<32x2048xf32>
    %mul3A_14 = vector.broadcast %get3A_11 : vector<32x1xf32> to vector<32x2048xf32>
    %mul3A_15 = arith.mulf %mul3A_14, %rsqrt3A : vector<32x2048xf32>
    %iota3A = tpu.iota {dimensions = array<i32: 0>} : vector<32x1024xi32>
    %get3A_16 = arith.constant 0 : index
    %get3A_17 = arith.constant 0 : index
    %get3A_18 = vector.load %arg6[%get3A_16, %get3A_17] : memref<8x1024xi32, #tpu.memory_space<vmem>>, vector<1x1024xi32>
    %eq3A = vector.broadcast %get3A_18 : vector<1x1024xi32> to vector<32x1024xi32>
    %eq3A_19 = arith.cmpi eq, %iota3A, %eq3A : vector<32x1024xi32>
    %convert_element_type3A = arith.extui %eq3A_19 : vector<32x1024xi1> to vector<32x1024xi32>
    %convert_element_type3A_20 = arith.sitofp %convert_element_type3A : vector<32x1024xi32> to vector<32x1024xf32>
    %get3A_21 = arith.constant 0 : index
    %get3A_22 = arith.constant 0 : index
    %get3A_23 = vector.load %arg2[%get3A_21, %get3A_22] : memref<1024x256xf32, #tpu.memory_space<vmem>>, vector<1024x256xf32>
    %get3A_24 = arith.constant 0 : index
    %get3A_25 = arith.constant 0 : index
    %get3A_26 = vector.load %arg3[%get3A_24, %get3A_25] : memref<256x2048xf32, #tpu.memory_space<vmem>>, vector<256x2048xf32>
    %dot_general3A_27 = arith.constant dense<0.000000e+00> : vector<1024x2048xf32>
    %dot_general3A_28 = tpu.matmul %get3A_23, %get3A_26, %dot_general3A_27 {dimension_numbers = #tpu.dot_dimension_numbers<[1], [0], [0], [1], [0, 0, 1, 1], [], []>, transpose_lhs_hint = false} : vector<1024x256xf32>, vector<256x2048xf32>, vector<1024x2048xf32> -> vector<1024x2048xf32>
    %dot_general3A_29 = arith.constant dense<0.000000e+00> : vector<1024x2048xf32>
    %dot_general3A_30 = tpu.matmul %convert_element_type3A_20, %mul3A_15, %dot_general3A_29 {dimension_numbers = #tpu.dot_dimension_numbers<[0], [0], [1], [1], [0, 1, 1, 1], [], []>, transpose_lhs_hint = false} : vector<32x1024xf32>, vector<32x2048xf32>, vector<1024x2048xf32> -> vector<1024x2048xf32>
    %mul3A_31 = arith.mulf %dot_general3A_28, %dot_general3A_30 : vector<1024x2048xf32>
    %jit3A = arith.constant -4.000000e+00 : f32
    %jit3A_32 = arith.constant 4.000000e+00 : f32
    %max3A_33 = vector.broadcast %jit3A : f32 to vector<1024x2048xf32>
    %max3A_34 = arith.maximumf %max3A_33, %mul3A_31 : vector<1024x2048xf32>
    %min3A = vector.broadcast %jit3A_32 : f32 to vector<1024x2048xf32>
    %min3A_35 = arith.minimumf %min3A, %max3A_34 : vector<1024x2048xf32>
    %mul3A_36 = arith.constant 1.000000e+01 : f32
    %mul3A_37 = vector.broadcast %mul3A_36 : f32 to vector<1024x2048xf32>
    %mul3A_38 = arith.mulf %min3A_35, %mul3A_37 : vector<1024x2048xf32>
    %add3A = arith.constant 4.000000e+01 : f32
    %add3A_39 = vector.broadcast %add3A : f32 to vector<1024x2048xf32>
    %add3A_40 = arith.addf %mul3A_38, %add3A_39 : vector<1024x2048xf32>
    %min3A_41 = arith.constant 79.9921875 : f32
    %min3A_42 = vector.broadcast %min3A_41 : f32 to vector<1024x2048xf32>
    %min3A_43 = arith.minimumf %add3A_40, %min3A_42 : vector<1024x2048xf32>
    %get3A_44 = arith.constant 0 : index
    %get3A_45 = arith.constant 0 : index
    %get3A_46 = vector.load %arg7[%get3A_44, %get3A_45] : memref<1024x128xi32, #tpu.memory_space<vmem>>, vector<1024x1xi32>
    %convert_element_type3A_47 = arith.sitofp %get3A_46 : vector<1024x1xi32> to vector<1024x1xf32>
    %mul3A_48 = arith.constant 8.100000e+01 : f32
    %mul3A_49 = vector.broadcast %mul3A_48 : f32 to vector<1024x1xf32>
    %mul3A_50 = arith.mulf %convert_element_type3A_47, %mul3A_49 : vector<1024x1xf32>
    %add3A_51 = vector.broadcast %mul3A_50 : vector<1024x1xf32> to vector<1024x2048xf32>
    %add3A_52 = arith.addf %min3A_43, %add3A_51 : vector<1024x2048xf32>
    %swap3A = arith.constant 0 : index
    %swap3A_53 = arith.constant 0 : index
    %swap3A_54 = vector.load %arg8[%swap3A, %swap3A_53] : memref<1024x2048xf32, #tpu.memory_space<vmem>>, vector<1024x2048xf32>
    tpu.vector_store %arg8[%swap3A, %swap3A_53], %add3A_52 {strides = array<i32>} : memref<1024x2048xf32, #tpu.memory_space<vmem>>, vector<1024x2048xf32>,
    %mul3A_55 = arith.mulf %mul3A_31, %mul3A_31 : vector<1024x2048xf32>
    %dot_general3A_56 = arith.constant dense<0.000000e+00> : vector<32x2048xf32>
    %dot_general3A_57 = tpu.matmul %convert_element_type3A_20, %mul3A_55, %dot_general3A_56 {dimension_numbers = #tpu.dot_dimension_numbers<[1], [0], [0], [1], [0, 0, 1, 1], [], []>, transpose_lhs_hint = false} : vector<32x1024xf32>, vector<1024x2048xf32>, vector<32x2048xf32> -> vector<32x2048xf32>
    %mul3A_58 = arith.mulf %mul3A_55, %mul3A_55 : vector<1024x2048xf32>
    %dot_general3A_59 = arith.constant dense<0.000000e+00> : vector<32x2048xf32>
    %dot_general3A_60 = tpu.matmul %convert_element_type3A_20, %mul3A_58, %dot_general3A_59 {dimension_numbers = #tpu.dot_dimension_numbers<[1], [0], [0], [1], [0, 0, 1, 1], [], []>, transpose_lhs_hint = false} : vector<32x1024xf32>, vector<1024x2048xf32>, vector<32x2048xf32> -> vector<32x2048xf32>
    %eq3A_61 = arith.constant 0 : i32
    %eq3A_62 = arith.cmpi eq, %arg1, %eq3A_61 : i32
    %convert_element_type3A_63 = arith.extui %eq3A_62 : i1 to i32
    %cond3A = arith.constant 0 : i32
    %cond3A_64 = arith.cmpi ne, %convert_element_type3A_63, %cond3A : i32
    scf.if %cond3A_64 {
      %swap3A_74 = arith.constant 0 : index
      %swap3A_75 = arith.constant 0 : index
      %swap3A_76 = vector.load %arg11[%swap3A_74, %swap3A_75] : memref<32x2048xf32, #tpu.memory_space<vmem>>, vector<32x2048xf32>
      tpu.vector_store %arg11[%swap3A_74, %swap3A_75], %dot_general3A_57 {strides = array<i32>} : memref<32x2048xf32, #tpu.memory_space<vmem>>, vector<32x2048xf32>,
      %swap3A_77 = arith.constant 0 : index
      %swap3A_78 = arith.constant 0 : index
      %swap3A_79 = vector.load %arg12[%swap3A_77, %swap3A_78] : memref<32x2048xf32, #tpu.memory_space<vmem>>, vector<32x2048xf32>
      tpu.vector_store %arg12[%swap3A_77, %swap3A_78], %dot_general3A_60 {strides = array<i32>} : memref<32x2048xf32, #tpu.memory_space<vmem>>, vector<32x2048xf32>,
    } else {
    }
    %gt3A = arith.constant 0 : i32
    %gt3A_65 = arith.cmpi sgt, %arg1, %gt3A : i32
    %convert_element_type3A_66 = arith.extui %gt3A_65 : i1 to i32
    %cond3A_67 = arith.constant 0 : i32
    %cond3A_68 = arith.cmpi ne, %convert_element_type3A_66, %cond3A_67 : i32
    scf.if %cond3A_68 {
      %get3A_74 = arith.constant 0 : index
      %get3A_75 = arith.constant 0 : index
      %get3A_76 = vector.load %arg11[%get3A_74, %get3A_75] : memref<32x2048xf32, #tpu.memory_space<vmem>>, vector<32x2048xf32>
      %add3A_77 = arith.addf %get3A_76, %dot_general3A_57 : vector<32x2048xf32>
      %swap3A_78 = arith.constant 0 : index
      %swap3A_79 = arith.constant 0 : index
      %swap3A_80 = vector.load %arg11[%swap3A_78, %swap3A_79] : memref<32x2048xf32, #tpu.memory_space<vmem>>, vector<32x2048xf32>
      tpu.vector_store %arg11[%swap3A_78, %swap3A_79], %add3A_77 {strides = array<i32>} : memref<32x2048xf32, #tpu.memory_space<vmem>>, vector<32x2048xf32>,
      %get3A_81 = arith.constant 0 : index
      %get3A_82 = arith.constant 0 : index
      %get3A_83 = vector.load %arg12[%get3A_81, %get3A_82] : memref<32x2048xf32, #tpu.memory_space<vmem>>, vector<32x2048xf32>
      %add3A_84 = arith.addf %get3A_83, %dot_general3A_60 : vector<32x2048xf32>
      %swap3A_85 = arith.constant 0 : index
      %swap3A_86 = arith.constant 0 : index
      %swap3A_87 = vector.load %arg12[%swap3A_85, %swap3A_86] : memref<32x2048xf32, #tpu.memory_space<vmem>>, vector<32x2048xf32>
      tpu.vector_store %arg12[%swap3A_85, %swap3A_86], %add3A_84 {strides = array<i32>} : memref<32x2048xf32, #tpu.memory_space<vmem>>, vector<32x2048xf32>,
    } else {
    }
    %eq3A_69 = arith.constant 7 : i32
    %eq3A_70 = arith.cmpi eq, %arg1, %eq3A_69 : i32
    %convert_element_type3A_71 = arith.extui %eq3A_70 : i1 to i32
    %cond3A_72 = arith.constant 0 : i32
    %cond3A_73 = arith.cmpi ne, %convert_element_type3A_71, %cond3A_72 : i32
    scf.if %cond3A_73 {
      %get3A_74 = arith.constant 0 : index
      %get3A_75 = arith.constant 0 : index
      %get3A_76 = vector.load %arg11[%get3A_74, %get3A_75] : memref<32x2048xf32, #tpu.memory_space<vmem>>, vector<32x2048xf32>
      %swap3A_77 = arith.constant 0 : index
      %swap3A_78 = arith.constant 0 : index
      %swap3A_79 = vector.load %arg9[%swap3A_77, %swap3A_78] : memref<32x2048xf32, #tpu.memory_space<vmem>>, vector<32x2048xf32>
      tpu.vector_store %arg9[%swap3A_77, %swap3A_78], %get3A_76 {strides = array<i32>} : memref<32x2048xf32, #tpu.memory_space<vmem>>, vector<32x2048xf32>,
      %get3A_80 = arith.constant 0 : index
      %get3A_81 = arith.constant 0 : index
      %get3A_82 = vector.load %arg12[%get3A_80, %get3A_81] : memref<32x2048xf32, #tpu.memory_space<vmem>>, vector<32x2048xf32>
      %swap3A_83 = arith.constant 0 : index
      %swap3A_84 = arith.constant 0 : index
      %swap3A_85 = vector.load %arg10[%swap3A_83, %swap3A_84] : memref<32x2048xf32, #tpu.memory_space<vmem>>, vector<32x2048xf32>
      tpu.vector_store %arg10[%swap3A_83, %swap3A_84], %get3A_82 {strides = array<i32>} : memref<32x2048xf32, #tpu.memory_space<vmem>>, vector<32x2048xf32>,
    } else {
    }
    return
  }
  func.func @transform_0(%arg0: i32, %arg1: i32) -> (i32, i32) {
    %c0_i32 = arith.constant 0 : i32
    %c0_i32_0 = arith.constant 0 : i32
    return %arg1, %c0_i32 : i32, i32
  }
  func.func @transform_1(%arg0: i32, %arg1: i32) -> (i32, i32) {
    %c0_i32 = arith.constant 0 : i32
    %c0_i32_0 = arith.constant 0 : i32
    return %c0_i32, %arg0 : i32, i32
  }
  func.func @transform_2(%arg0: i32, %arg1: i32) -> (i32, i32) {
    %c0_i32 = arith.constant 0 : i32
    %c0_i32_0 = arith.constant 0 : i32
    %c0_i32_1 = arith.constant 0 : i32
    return %c0_i32, %c0_i32_0 : i32, i32
  }
  func.func @transform_3(%arg0: i32, %arg1: i32) -> (i32, i32) {
    %c0_i32 = arith.constant 0 : i32
    %c0_i32_0 = arith.constant 0 : i32
    %c0_i32_1 = arith.constant 0 : i32
    return %c0_i32, %c0_i32_0 : i32, i32
  }
  func.func @transform_4(%arg0: i32, %arg1: i32) -> (i32, i32) {
    %c0_i32 = arith.constant 0 : i32
    %c0_i32_0 = arith.constant 0 : i32
    return %c0_i32, %arg1 : i32, i32
  }
  func.func @transform_5(%arg0: i32, %arg1: i32) -> (i32, i32) {
    %c0_i32 = arith.constant 0 : i32
    %c0_i32_0 = arith.constant 0 : i32
    return %arg1, %c0_i32 : i32, i32
  }
  func.func @transform_6(%arg0: i32, %arg1: i32) -> (i32, i32) {
    %c0_i32 = arith.constant 0 : i32
    return %arg1, %arg0 : i32, i32
  }
  func.func @transform_7(%arg0: i32, %arg1: i32) -> (i32, i32) {
    %c0_i32 = arith.constant 0 : i32
    %c0_i32_0 = arith.constant 0 : i32
    return %c0_i32, %arg0 : i32, i32
  }
  func.func @transform_8(%arg0: i32, %arg1: i32) -> (i32, i32) {
    %c0_i32 = arith.constant 0 : i32
    %c0_i32_0 = arith.constant 0 : i32
    return %c0_i32, %arg0 : i32, i32
  }
}

module attributes {stable_mosaic.version = 14 : i64} {
  func.func @_loss_body(%arg0: i32, %arg1: memref<1024x1539xf32, #tpu.memory_space<vmem>>, %arg2: memref<32x1024xf32, #tpu.memory_space<vmem>>, %arg3: memref<32x1024xf32, #tpu.memory_space<vmem>>, %arg4: memref<8x1539xf32, #tpu.memory_space<vmem>>, %arg5: memref<8x1539xf32, #tpu.memory_space<vmem>>, %arg6: memref<32x128xf32, #tpu.memory_space<vmem>>, %arg7: memref<32x128xf32, #tpu.memory_space<vmem>>, %arg8: memref<8x128xf32, #tpu.memory_space<vmem>>, %arg9: memref<8x128xf32, #tpu.memory_space<vmem>>) attributes {dimension_semantics = [#tpu.dimension_semantics<arbitrary>], iteration_bounds = array<i64: 10>, scalar_prefetch = 0 : i64, scratch_operands = 1 : i64, tpu.core_type = #tpu.core_type<tc>, window_params = [{transform_indices = @transform_0, window_bounds = array<i64: 1024, 1539>}, {transform_indices = @transform_1, window_bounds = array<i64: 32, 1024>}, {transform_indices = @transform_2, window_bounds = array<i64: 32, 1024>}, {pipeline_mode = #tpu.pipeline_mode<synchronous>, transform_indices = @transform_3, window_bounds = array<i64: 8, 1539>}, {pipeline_mode = #tpu.pipeline_mode<synchronous>, transform_indices = @transform_4, window_bounds = array<i64: 8, 1539>}, {pipeline_mode = #tpu.pipeline_mode<synchronous>, transform_indices = @transform_5, window_bounds = array<i64: 32, 128>}, {pipeline_mode = #tpu.pipeline_mode<synchronous>, transform_indices = @transform_6, window_bounds = array<i64: 32, 128>}, {pipeline_mode = #tpu.pipeline_mode<synchronous>, transform_indices = @transform_7, window_bounds = array<i64: 8, 128>}]} {
    %get3A = arith.constant 0 : index
    %get3A_0 = arith.constant 0 : index
    %get3A_1 = vector.load %arg1[%get3A, %get3A_0] : memref<1024x1539xf32, #tpu.memory_space<vmem>>, vector<1024x1539xf32>
    %get3A_2 = arith.constant 0 : index
    %get3A_3 = arith.constant 0 : index
    %get3A_4 = vector.load %arg4[%get3A_2, %get3A_3] : memref<8x1539xf32, #tpu.memory_space<vmem>>, vector<1x1539xf32>
    %mul3A = vector.broadcast %get3A_4 : vector<1x1539xf32> to vector<1024x1539xf32>
    %mul3A_5 = arith.mulf %get3A_1, %mul3A : vector<1024x1539xf32>
    %sub3A = arith.constant 0.0123456791 : f32
    %sub3A_6 = vector.broadcast %sub3A : f32 to vector<1024x1539xf32>
    %sub3A_7 = arith.subf %mul3A_5, %sub3A_6 : vector<1024x1539xf32>
    %iota3A = tpu.iota {dimensions = array<i32: 0>} : vector<1024x1539xi32>
    %mul3A_8 = arith.constant 1024 : i32
    %mul3A_9 = arith.muli %arg0, %mul3A_8 : i32
    %add3A = vector.broadcast %mul3A_9 : i32 to vector<1024x1539xi32>
    %add3A_10 = arith.addi %iota3A, %add3A : vector<1024x1539xi32>
    %lt3A = arith.constant 10000 : i32
    %lt3A_11 = vector.broadcast %lt3A : i32 to vector<1024x1539xi32>
    %lt3A_12 = arith.cmpi slt, %add3A_10, %lt3A_11 : vector<1024x1539xi32>
    %convert_element_type3A = arith.extui %lt3A_12 : vector<1024x1539xi1> to vector<1024x1539xi32>
    %convert_element_type3A_13 = arith.sitofp %convert_element_type3A : vector<1024x1539xi32> to vector<1024x1539xf32>
    %mul3A_14 = arith.mulf %sub3A_7, %sub3A_7 : vector<1024x1539xf32>
    %get3A_15 = arith.constant 0 : index
    %get3A_16 = arith.constant 0 : index
    %get3A_17 = vector.load %arg5[%get3A_15, %get3A_16] : memref<8x1539xf32, #tpu.memory_space<vmem>>, vector<1x1539xf32>
    %mul3A_18 = vector.broadcast %get3A_17 : vector<1x1539xf32> to vector<1024x1539xf32>
    %mul3A_19 = arith.mulf %mul3A_14, %mul3A_18 : vector<1024x1539xf32>
    %mul3A_20 = arith.mulf %mul3A_19, %convert_element_type3A_13 : vector<1024x1539xf32>
    %reduce_sum3A = vector.shape_cast %mul3A_20 : vector<1024x1539xf32> to vector<1x1024x1539xf32>
    %reduce_sum3A_21 = arith.constant dense<0.000000e+00> : vector<1xf32>
    %reduce_sum3A_22 = vector.multi_reduction <add>, %reduce_sum3A, %reduce_sum3A_21 [1, 2] : vector<1x1024x1539xf32> to vector<1xf32>
    %reduce_sum3A_23 = vector.shape_cast %reduce_sum3A_22 : vector<1xf32> to vector<1x1x1xf32>
    %reduce_sum3A_24 = vector.extract %reduce_sum3A_23[0, 0, 0] : f32 from vector<1x1x1xf32>
    %get3A_25 = arith.constant 0 : index
    %get3A_26 = arith.constant 0 : index
    %get3A_27 = vector.load %arg2[%get3A_25, %get3A_26] : memref<32x1024xf32, #tpu.memory_space<vmem>>, vector<32x1024xf32>
    %get3A_28 = arith.constant 0 : index
    %get3A_29 = arith.constant 0 : index
    %get3A_30 = vector.load %arg6[%get3A_28, %get3A_29] : memref<32x128xf32, #tpu.memory_space<vmem>>, vector<32x1xf32>
    %mul3A_31 = vector.broadcast %get3A_30 : vector<32x1xf32> to vector<32x1024xf32>
    %mul3A_32 = arith.mulf %get3A_27, %mul3A_31 : vector<32x1024xf32>
    %get3A_33 = arith.constant 0 : index
    %get3A_34 = arith.constant 0 : index
    %get3A_35 = vector.load %arg3[%get3A_33, %get3A_34] : memref<32x1024xf32, #tpu.memory_space<vmem>>, vector<32x1024xf32>
    %get3A_36 = arith.constant 0 : index
    %get3A_37 = arith.constant 0 : index
    %get3A_38 = vector.load %arg6[%get3A_36, %get3A_37] : memref<32x128xf32, #tpu.memory_space<vmem>>, vector<32x1xf32>
    %mul3A_39 = vector.broadcast %get3A_38 : vector<32x1xf32> to vector<32x1024xf32>
    %mul3A_40 = arith.mulf %get3A_35, %mul3A_39 : vector<32x1024xf32>
    %iota3A_41 = tpu.iota {dimensions = array<i32: 1>} : vector<32x1024xi32>
    %mul3A_42 = arith.constant 1024 : i32
    %mul3A_43 = arith.muli %arg0, %mul3A_42 : i32
    %add3A_44 = vector.broadcast %mul3A_43 : i32 to vector<32x1024xi32>
    %add3A_45 = arith.addi %iota3A_41, %add3A_44 : vector<32x1024xi32>
    %get3A_46 = arith.constant 0 : index
    %get3A_47 = arith.constant 0 : index
    %get3A_48 = vector.load %arg7[%get3A_46, %get3A_47] : memref<32x128xf32, #tpu.memory_space<vmem>>, vector<32x1xf32>
    %lt3A_49 = arith.constant 10000 : i32
    %lt3A_50 = vector.broadcast %lt3A_49 : i32 to vector<32x1024xi32>
    %lt3A_51 = arith.cmpi slt, %add3A_45, %lt3A_50 : vector<32x1024xi32>
    %convert_element_type3A_52 = arith.extui %lt3A_51 : vector<32x1024xi1> to vector<32x1024xi32>
    %convert_element_type3A_53 = arith.sitofp %convert_element_type3A_52 : vector<32x1024xi32> to vector<32x1024xf32>
    %mul3A_54 = vector.broadcast %get3A_48 : vector<32x1xf32> to vector<32x1024xf32>
    %mul3A_55 = arith.mulf %mul3A_54, %convert_element_type3A_53 : vector<32x1024xf32>
    %mul3A_56 = arith.mulf %mul3A_32, %mul3A_32 : vector<32x1024xf32>
    %add3A_57 = arith.constant 9.99999996E-13 : f32
    %add3A_58 = vector.broadcast %add3A_57 : f32 to vector<32x1024xf32>
    %add3A_59 = arith.addf %mul3A_56, %add3A_58 : vector<32x1024xf32>
    %div3A = arith.divf %mul3A_40, %add3A_59 : vector<32x1024xf32>
    %sub3A_60 = arith.constant 3.000000e+00 : f32
    %sub3A_61 = vector.broadcast %sub3A_60 : f32 to vector<32x1024xf32>
    %sub3A_62 = arith.subf %div3A, %sub3A_61 : vector<32x1024xf32>
    %integer_pow3A = arith.mulf %sub3A_62, %sub3A_62 : vector<32x1024xf32>
    %mul3A_63 = arith.mulf %integer_pow3A, %mul3A_55 : vector<32x1024xf32>
    %reduce_sum3A_64 = vector.shape_cast %mul3A_63 : vector<32x1024xf32> to vector<1x32x1024xf32>
    %reduce_sum3A_65 = arith.constant dense<0.000000e+00> : vector<1xf32>
    %reduce_sum3A_66 = vector.multi_reduction <add>, %reduce_sum3A_64, %reduce_sum3A_65 [1, 2] : vector<1x32x1024xf32> to vector<1xf32>
    %reduce_sum3A_67 = vector.shape_cast %reduce_sum3A_66 : vector<1xf32> to vector<1x1x1xf32>
    %reduce_sum3A_68 = vector.extract %reduce_sum3A_67[0, 0, 0] : f32 from vector<1x1x1xf32>
    %sub3A_69 = arith.constant 1.000000e+00 : f32
    %sub3A_70 = vector.broadcast %sub3A_69 : f32 to vector<32x1024xf32>
    %sub3A_71 = arith.subf %mul3A_32, %sub3A_70 : vector<32x1024xf32>
    %integer_pow3A_72 = arith.mulf %sub3A_71, %sub3A_71 : vector<32x1024xf32>
    %mul3A_73 = arith.mulf %integer_pow3A_72, %mul3A_55 : vector<32x1024xf32>
    %reduce_sum3A_74 = vector.shape_cast %mul3A_73 : vector<32x1024xf32> to vector<1x32x1024xf32>
    %reduce_sum3A_75 = arith.constant dense<0.000000e+00> : vector<1xf32>
    %reduce_sum3A_76 = vector.multi_reduction <add>, %reduce_sum3A_74, %reduce_sum3A_75 [1, 2] : vector<1x32x1024xf32> to vector<1xf32>
    %reduce_sum3A_77 = vector.shape_cast %reduce_sum3A_76 : vector<1xf32> to vector<1x1x1xf32>
    %reduce_sum3A_78 = vector.extract %reduce_sum3A_77[0, 0, 0] : f32 from vector<1x1x1xf32>
    %iota3A_79 = tpu.iota {dimensions = array<i32: 0>} : vector<8x128xi32>
    %iota3A_80 = tpu.iota {dimensions = array<i32: 1>} : vector<8x128xi32>
    %broadcast_in_dim3A = arith.constant 0.000000e+00 : f32
    %broadcast_in_dim3A_81 = vector.broadcast %broadcast_in_dim3A : f32 to vector<8x128xf32>
    %eq3A = arith.constant 0 : i32
    %eq3A_82 = vector.broadcast %eq3A : i32 to vector<8x128xi32>
    %eq3A_83 = arith.cmpi eq, %iota3A_79, %eq3A_82 : vector<8x128xi32>
    %eq3A_84 = arith.constant 0 : i32
    %eq3A_85 = vector.broadcast %eq3A_84 : i32 to vector<8x128xi32>
    %eq3A_86 = arith.cmpi eq, %iota3A_80, %eq3A_85 : vector<8x128xi32>
    %and3A = arith.andi %eq3A_83, %eq3A_86 : vector<8x128xi1>
    %broadcast_in_dim3A_87 = vector.broadcast %reduce_sum3A_24 : f32 to vector<8x128xf32>
    %select_n3A = arith.select %and3A, %broadcast_in_dim3A_87, %broadcast_in_dim3A_81 : vector<8x128xi1>, vector<8x128xf32>
    %eq3A_88 = arith.constant 0 : i32
    %eq3A_89 = vector.broadcast %eq3A_88 : i32 to vector<8x128xi32>
    %eq3A_90 = arith.cmpi eq, %iota3A_79, %eq3A_89 : vector<8x128xi32>
    %eq3A_91 = arith.constant 1 : i32
    %eq3A_92 = vector.broadcast %eq3A_91 : i32 to vector<8x128xi32>
    %eq3A_93 = arith.cmpi eq, %iota3A_80, %eq3A_92 : vector<8x128xi32>
    %and3A_94 = arith.andi %eq3A_90, %eq3A_93 : vector<8x128xi1>
    %broadcast_in_dim3A_95 = vector.broadcast %reduce_sum3A_68 : f32 to vector<8x128xf32>
    %select_n3A_96 = arith.select %and3A_94, %broadcast_in_dim3A_95, %broadcast_in_dim3A_81 : vector<8x128xi1>, vector<8x128xf32>
    %add3A_97 = arith.addf %select_n3A, %select_n3A_96 : vector<8x128xf32>
    %eq3A_98 = arith.constant 0 : i32
    %eq3A_99 = vector.broadcast %eq3A_98 : i32 to vector<8x128xi32>
    %eq3A_100 = arith.cmpi eq, %iota3A_79, %eq3A_99 : vector<8x128xi32>
    %eq3A_101 = arith.constant 2 : i32
    %eq3A_102 = vector.broadcast %eq3A_101 : i32 to vector<8x128xi32>
    %eq3A_103 = arith.cmpi eq, %iota3A_80, %eq3A_102 : vector<8x128xi32>
    %and3A_104 = arith.andi %eq3A_100, %eq3A_103 : vector<8x128xi1>
    %broadcast_in_dim3A_105 = vector.broadcast %reduce_sum3A_78 : f32 to vector<8x128xf32>
    %select_n3A_106 = arith.select %and3A_104, %broadcast_in_dim3A_105, %broadcast_in_dim3A_81 : vector<8x128xi1>, vector<8x128xf32>
    %add3A_107 = arith.addf %add3A_97, %select_n3A_106 : vector<8x128xf32>
    %eq3A_108 = arith.constant 0 : i32
    %eq3A_109 = arith.cmpi eq, %arg0, %eq3A_108 : i32
    %convert_element_type3A_110 = arith.extui %eq3A_109 : i1 to i32
    %cond3A = arith.constant 0 : i32
    %cond3A_111 = arith.cmpi ne, %convert_element_type3A_110, %cond3A : i32
    scf.if %cond3A_111 {
      %swap3A = arith.constant 0 : index
      %swap3A_121 = arith.constant 0 : index
      %swap3A_122 = vector.load %arg9[%swap3A, %swap3A_121] : memref<8x128xf32, #tpu.memory_space<vmem>>, vector<8x128xf32>
      tpu.vector_store %arg9[%swap3A, %swap3A_121], %add3A_107 {strides = array<i32>} : memref<8x128xf32, #tpu.memory_space<vmem>>, vector<8x128xf32>,
    } else {
    }
    %gt3A = arith.constant 0 : i32
    %gt3A_112 = arith.cmpi sgt, %arg0, %gt3A : i32
    %convert_element_type3A_113 = arith.extui %gt3A_112 : i1 to i32
    %cond3A_114 = arith.constant 0 : i32
    %cond3A_115 = arith.cmpi ne, %convert_element_type3A_113, %cond3A_114 : i32
    scf.if %cond3A_115 {
      %get3A_121 = arith.constant 0 : index
      %get3A_122 = arith.constant 0 : index
      %get3A_123 = vector.load %arg9[%get3A_121, %get3A_122] : memref<8x128xf32, #tpu.memory_space<vmem>>, vector<8x128xf32>
      %add3A_124 = arith.addf %get3A_123, %add3A_107 : vector<8x128xf32>
      %swap3A = arith.constant 0 : index
      %swap3A_125 = arith.constant 0 : index
      %swap3A_126 = vector.load %arg9[%swap3A, %swap3A_125] : memref<8x128xf32, #tpu.memory_space<vmem>>, vector<8x128xf32>
      tpu.vector_store %arg9[%swap3A, %swap3A_125], %add3A_124 {strides = array<i32>} : memref<8x128xf32, #tpu.memory_space<vmem>>, vector<8x128xf32>,
    } else {
    }
    %eq3A_116 = arith.constant 9 : i32
    %eq3A_117 = arith.cmpi eq, %arg0, %eq3A_116 : i32
    %convert_element_type3A_118 = arith.extui %eq3A_117 : i1 to i32
    %cond3A_119 = arith.constant 0 : i32
    %cond3A_120 = arith.cmpi ne, %convert_element_type3A_118, %cond3A_119 : i32
    scf.if %cond3A_120 {
      %get3A_121 = arith.constant 0 : index
      %get3A_122 = arith.constant 0 : index
      %get3A_123 = vector.load %arg9[%get3A_121, %get3A_122] : memref<8x128xf32, #tpu.memory_space<vmem>>, vector<8x128xf32>
      %swap3A = arith.constant 0 : index
      %swap3A_124 = arith.constant 0 : index
      %swap3A_125 = vector.load %arg8[%swap3A, %swap3A_124] : memref<8x128xf32, #tpu.memory_space<vmem>>, vector<8x128xf32>
      tpu.vector_store %arg8[%swap3A, %swap3A_124], %get3A_123 {strides = array<i32>} : memref<8x128xf32, #tpu.memory_space<vmem>>, vector<8x128xf32>,
    } else {
    }
    return
  }
  func.func @transform_0(%arg0: i32) -> (i32, i32) {
    %c0_i32 = arith.constant 0 : i32
    %c0_i32_0 = arith.constant 0 : i32
    return %arg0, %c0_i32 : i32, i32
  }
  func.func @transform_1(%arg0: i32) -> (i32, i32) {
    %c0_i32 = arith.constant 0 : i32
    %c0_i32_0 = arith.constant 0 : i32
    return %c0_i32, %arg0 : i32, i32
  }
  func.func @transform_2(%arg0: i32) -> (i32, i32) {
    %c0_i32 = arith.constant 0 : i32
    %c0_i32_0 = arith.constant 0 : i32
    return %c0_i32, %arg0 : i32, i32
  }
  func.func @transform_3(%arg0: i32) -> (i32, i32) {
    %c0_i32 = arith.constant 0 : i32
    %c0_i32_0 = arith.constant 0 : i32
    %c0_i32_1 = arith.constant 0 : i32
    return %c0_i32, %c0_i32_0 : i32, i32
  }
  func.func @transform_4(%arg0: i32) -> (i32, i32) {
    %c0_i32 = arith.constant 0 : i32
    %c0_i32_0 = arith.constant 0 : i32
    %c0_i32_1 = arith.constant 0 : i32
    return %c0_i32, %c0_i32_0 : i32, i32
  }
  func.func @transform_5(%arg0: i32) -> (i32, i32) {
    %c0_i32 = arith.constant 0 : i32
    %c0_i32_0 = arith.constant 0 : i32
    %c0_i32_1 = arith.constant 0 : i32
    return %c0_i32, %c0_i32_0 : i32, i32
  }
  func.func @transform_6(%arg0: i32) -> (i32, i32) {
    %c0_i32 = arith.constant 0 : i32
    %c0_i32_0 = arith.constant 0 : i32
    %c0_i32_1 = arith.constant 0 : i32
    return %c0_i32, %c0_i32_0 : i32, i32
  }
  func.func @transform_7(%arg0: i32) -> (i32, i32) {
    %c0_i32 = arith.constant 0 : i32
    %c0_i32_0 = arith.constant 0 : i32
    %c0_i32_1 = arith.constant 0 : i32
    return %c0_i32, %c0_i32_0 : i32, i32
  }
}

</mosaic_0001>

<sc_bundles>
// kernel: gather_offload_async_start.1
scs
__scs_entry_jumppad:
0x0: {  	(pc) =	sbr.rel $0x88, $3  }
0x1: {  	(tag) =	ssettag $0x0;
	lr =	simm.s32 $0x1  }
0x2: {  	[smem:$0x3F9E] =	sst lr;
	_ =	strace $0xD0000000  }
0x3: {  	_ = 	snop  }
0x4: {  	_ = 	snop  }
0x5: {  	_ = 	snop  }
0x6: {  	_ = 	snop  }
0x7: {  	_ = 	snop  }
__scs_overlays_trampoline_lowered:
0x8: {  	[smem:$0x3FAD] =	sst s0  }
0x9: {  	[smem:$0x3FAE] =	sst s1  }
0xa: {  	[smem:$0x3FAF] =	sst s2  }
0xb: {  	[smem:$0x3FB0] =	sst s3  }
0xc: {  	[smem:$0x3FB1] =	sst s4  }
0xd: {  	[smem:$0x3FB2] =	sst s5  }
0xe: {  	[smem:$0x3FB3] =	sst s6  }
0xf: {  	[smem:$0x3FB4] =	sst s7  }
0x10: {  	[smem:$0x3FB5] =	sst s8  }
0x11: {  	[smem:$0x3FB6] =	sst s9;
	s0 =	simm.s32 @!p0 $0x0  }
0x12: {  	s1 =	sld [smem:$0x3F9C];
	s0 =	simm.s32 @p0 $0x1  }
0x13: {  	[smem:$0x3FB7] =	sst s0;
	s0 =	simm.s32 @!p1 $0x0  }
0x14: {  	s2 =	sld [smem:$0x3F9B];
	s0 =	simm.s32 @p1 $0x1  }
0x15: {  	[smem:$0x3FB8] =	sst s0;
	s0 =	simm.s32 @!p2 $0x0  }
0x16: {  	s3 =	sld [smem:$0x3FDB];
	s0 =	simm.s32 @p2 $0x1  }
0x17: {  	s4 =	simm.s32 $0x1BF5;
	[smem:$0x3FBA] =	sst s0  }
0x18: {  	s0 =	sld [smem:$0x3F9D];
	_ =	swait.ge [sflag:s4], $0x0  }
0x19: {  	s7 =	sld [smem:$0x3F9E]  }
0x1a: {  	s8 =	sadd.s32 $0xFFFFE003, lr  }
0x1b: {  	s9 =	sadd.s32 $0xFFFFFEF7, lr;
	s5 =	simm.s32 $0xFFFFFFFF;
	p2 =	slt.u32 s8, $0xFFFFF086  }
0x1c: {  	p1 =	slt.u32 s9, $0xF7A;
	s5 =	simm.s32 @!p2 $0x0  }
0x1d: {  	s5 =	simm.s32 @p1 $0x1;
	p0 =	seq.s32 s7, s2  }
0x1e: {  	s7 =	smul.u32 @!p0 $0xF7A, s2;
	p2 =	seq.s32 @!p0 s5, $0x0  }
0x1f: {  	s9 =	smul.u32 $0xF7A, s1;
	s8 =	simm.s32 @!p0 $0x1BF5;
	p2 =	por !p2, p0  }
0x20: {  	[sflag:s8] =	ssyncset.s32 @!p0 $0xFFFFF086;
	s6 =	sadd.s32 @!p0 s3, s7;
	s7 =	simm.s32 @!p0 $0x108  }
0x21: {  	s3 =	sadd.s32 s3, s9;
	s6 =	sadd.s32 @!p0 $0x88, s6;
	s7 =	simm.s32 @p2 $0x1082  }
0x22: {  	[simem:s7], [sflag:s8] =	dma.local @!p0 [hbm:s6], $0xF7A  }
0x23: {  	s9 =	sor.u32 $0xD0000000, s2;
	s6 =	simm.s32 $0x108;
	_ =	swait.ge @!p0 [sflag:s8], $0x0  }
0x24: {  	s3 =	sadd.s32 $0x88, s3;
	s6 =	simm.s32 @!p1 $0x1082;
	[sflag:s4] =	ssyncset.s32 $0xFFFFF086  }
0x25: {  	[simem:s6], [sflag:s4] =	dma.local [hbm:s3], $0xF7A  }
0x26: {  	[smem:$0x3F9E] =	sst s1;
	(tag) =	ssettag s2;
	_ =	strace s9  }
0x27: {  	s1 =	sld [smem:$0x3FAE]  }
0x28: {  	s2 =	sld [smem:$0x3FAF]  }
0x29: {  	s4 =	sld [smem:$0x3FB1]  }
0x2a: {  	p0 =	seq.s32 s5, $0x0;
	s5 =	sld [smem:$0x3FB2]  }
0x2b: {  	s6 =	sld [smem:$0x3FB3]  }
0x2c: {  	s7 =	sld [smem:$0x3FB4]  }
0x2d: {  	s3 =	simm.s32 $0x108;
	s8 =	sld [smem:$0x3FB5]  }
0x2e: {  	s3 =	simm.s32 @!p0 $0x1082;
	s9 =	sld [smem:$0x3FB6]  }
0x2f: {  	lr =	sadd.s32 s0, s3;
	s0 =	sld [smem:$0x3FAD]  }
0x30: {  	s3 =	sld [smem:$0x3FB0]  }
0x31: {  	[smem:$0x3FB9] =	sst s10  }
0x32: {  	s10 =	sld [smem:$0x3FB7];
	_ =	sdelay $0x3  }
0x33: {  	p0 =	seq.s32 s10, $0x1;
	s10 =	sld [smem:$0x3FB9];
	_ =	sdelay $0x3  }
0x34: {  	[smem:$0x3FB9] =	sst s10  }
0x35: {  	s10 =	sld [smem:$0x3FB8];
	_ =	sdelay $0x3  }
0x36: {  	p1 =	seq.s32 s10, $0x1;
	s10 =	sld [smem:$0x3FB9];
	_ =	sdelay $0x3  }
0x37: {  	[smem:$0x3FB9] =	sst s10  }
0x38: {  	s10 =	sld [smem:$0x3FBA]  }
0x39: {  	_ = 	snop;
	(pc) =	sbr.ind lr, $3  }
0x3a: {  	_ = 	snop  }
0x3b: {  	_ = 	snop  }
0x3c: {  	p2 =	seq.s32 s10, $0x1;
	s10 =	sld [smem:$0x3FB9]  }
0x3d: {  	_ =	shalt  }
0x3e: {  	_ =	shalt  }
0x3f: {  	_ =	shalt  }
0x40: {  	_ =	shalt  }
0x41: {  	_ =	shalt  }
0x42: {  	_ =	shalt  }
0x43: {  	_ =	shalt  }
0x44: {  	_ =	shalt  }
0x45: {  	_ =	shalt  }
0x46: {  	_ =	shalt  }
0x47: {  	_ =	shalt  }
0x48: {  	_ =	shalt  }
0x49: {  	_ =	shalt  }
0x4a: {  	_ =	shalt  }
0x4b: {  	_ =	shalt  }
0x4c: {  	_ =	shalt  }
0x4d: {  	_ =	shalt  }
0x4e: {  	_ =	shalt  }
0x4f: {  	_ =	shalt  }
0x50: {  	_ =	shalt  }
0x51: {  	_ =	shalt  }
0x52: {  	_ =	shalt  }
0x53: {  	_ =	shalt  }
0x54: {  	_ =	shalt  }
0x55: {  	_ =	shalt  }
0x56: {  	_ =	shalt  }
0x57: {  	_ =	shalt  }
0x58: {  	_ =	shalt  }
0x59: {  	_ =	shalt  }
0x5a: {  	_ =	shalt  }
0x5b: {  	_ =	shalt  }
0x5c: {  	_ =	shalt  }
0x5d: {  	_ =	shalt  }
0x5e: {  	_ =	shalt  }
0x5f: {  	_ =	shalt  }
0x60: {  	_ =	shalt  }
0x61: {  	_ =	shalt  }
0x62: {  	_ =	shalt  }
0x63: {  	_ =	shalt  }
0x64: {  	_ =	shalt  }
0x65: {  	_ =	shalt  }
0x66: {  	_ =	shalt  }
0x67: {  	_ =	shalt  }
0x68: {  	_ =	shalt  }
0x69: {  	_ =	shalt  }
0x6a: {  	_ =	shalt  }
0x6b: {  	_ =	shalt  }
0x6c: {  	_ =	shalt  }
0x6d: {  	_ =	shalt  }
0x6e: {  	_ =	shalt  }
0x6f: {  	_ =	shalt  }
0x70: {  	_ =	shalt  }
0x71: {  	_ =	shalt  }
0x72: {  	_ =	shalt  }
0x73: {  	_ =	shalt  }
0x74: {  	_ =	shalt  }
0x75: {  	_ =	shalt  }
0x76: {  	_ =	shalt  }
0x77: {  	_ =	shalt  }
0x78: {  	_ =	shalt  }
0x79: {  	_ =	shalt  }
0x7a: {  	_ =	shalt  }
0x7b: {  	_ =	shalt  }
0x7c: {  	_ =	shalt  }
0x7d: {  	_ =	shalt  }
0x7e: {  	_ =	shalt  }
0x7f: {  	_ =	shalt  }
0x80: {  	_ =	shalt  }
0x81: {  	_ =	shalt  }
0x82: {  	_ =	shalt  }
0x83: {  	_ =	shalt  }
0x84: {  	_ =	shalt  }
0x85: {  	_ =	shalt  }
0x86: {  	_ =	shalt  }
0x87: {  	_ =	shalt  }
.Lfunc_end0:
.L_simem_size_0:
called_computation.2_lowered:
.L_overlay_start_0:
0x88: {  	s2 =	sld [smem:$0x3FD9]  }
0x89: {  	s3 =	sld [smem:$0x3FFE];
	_ =	sdelay $0x1  }
0x8a: {  	s1 =	srdreg.scid  }
0x8b: {  	s0 =	sand.u32 $0x1, s1  }
0x8c: {  	s16 =	sshll.u32 s0, $0xA;
	s2 =	sadd.s32 s3, s2  }
0x8d: {  	s2 =	sadd.s32 s2, s16  }
0x8e: {  	[smem:$0x3FC5] =	sst s2  }
0x8f: {  	_ = 	snop  }
0x90: {  	(tm) =	ssettm $0x1  }
0x91: {  	s17 =	sld [smem:$0x3FFB];
	_ =	sdelay $0x3  }
0x92: {  	_ =	strace s17  }
0x93: {  	s2 =	sld [smem:$0x3FFC];
	_ =	sdelay $0x3  }
0x94: {  	_ =	strace s2  }
0x95: {  	s2 =	sld [smem:$0x3FFD];
	_ =	sdelay $0x3  }
0x96: {  	_ =	strace s2  }
0x97: {  	_ =	strace $0x8FFFFFFF  }
0x98: {  	s18 =	sld [smem:$0x3FDB];
	_ =	sdelay $0x1  }
0x99: {  	s19 =	simm.s32 $_scs_section_size  }
0x9a: {  	s4 =	simm.s32 $_size__tile_overlayer_lowered;
	s5 =	simm.s32 $_tile_overlayer_lowered  }
0x9b: {  	s22 =	simm.s32 $0x1BFF;
	s21 =	sshll.u32 s5, $0x1;
	s2 =	sadd.s32 s19, s18  }
0x9c: {  	s6 =	simm.s32 $0x0;
	s20 =	sshll.u32 s4, $0x1;
	s4 =	sadd.s32 s21, s2  }
0x9d: {  	[timem:s6], [sflag:s22] =	dma.local [hbm:s4], s20  }
0x9e: {  	_ =	swait.ge [sflag:s22], s20  }
0x9f: {  	s3 =	ssub.s32 $0x0, s20;
	[sflag:s22] =	ssyncset.done $0x0  }
0xa0: {  	[sflag:s22] =	ssyncadd.s32 s3;
	_ =	sdelay $0x1  }
0xa1: {  	s23 =	simm.s32 $0x1B8B  }
0xa2: {  	_ =	swait.ge [sflag:s23], $0x1  }
0xa3: {  	[sflag:s23] =	ssyncset.done $0x0  }
0xa4: {  	s25 =	simm.s32 $0x1B8E;
	s24 =	sld [smem:$0x3FFE];
	[sflag:s23] =	ssyncadd.s32 $0xFFFFFFFF  }
0xa5: {  	s26 =	simm.s32 $execute0_lowered;
	[smem:$0x3FD2] =	sst s25  }
0xa6: {  	s4 =	sshll.u32 s26, $0x1;
	_ =	strace $0x80000046;
	[dreg:$0x1] =	wrdreg $0xFFFFFFFF  }
0xa7: {  	s28 =	simm.s32 $_size_execute0_lowered;
	s2 =	sadd.s32 s2, s4;
	[dreg:$0x0] =	wrdreg $0x0  }
0xa8: {  	s4 =	sshll.u32 s28, $0x1;
	[dreg:$0x2] =	wrdreg s2  }
0xa9: {  	[dreg:$0x3] =	wrdreg s4  }
0xaa: {  	[dreg:$0x4] =	wrdreg $0xC0  }
0xab: {  	_ =	task [dreg:s6], $0x5FFFF  }
0xac: {  	[dreg:$0x1] =	wrdreg $0xFFFFFFFF  }
0xad: {  	[dreg:$0x0] =	wrdreg $0x60  }
0xae: {  	[dreg:$0x2] =	wrdreg s24  }
0xaf: {  	[dreg:$0x3] =	wrdreg $0xA  }
0xb0: {  	_ =	task.clear_ibuf [dreg:s6], $0x4FFFF;
	_ =	strace $0x90000046  }
0xb1: {  	s29 =	simm.s32 $0xA;
	_ =	strace $0x80000048  }
0xb2: {  	_ =	swait.ge [sflag:s29], $0x1  }
0xb3: {  	[sflag:s29] =	ssyncadd.s32 $0xFFFFFFFF  }
0xb4: {  	_ =	strace $0x90000048  }
0xb5: {  	_ =	sfence  }
0xb6: {  	s30 =	sld [smem:$0x0];
	_ =	sdelay $0x2  }
0xb7: {  	s31 =	sshll.u32 s1, $0xD;
	s1 =	sshrl.u32 s1, $0x2  }
0xb8: {  	s3 =	sand.u32 $0x4000, s31;
	s1 =	sadd.s32 s1, s30  }
0xb9: {  	s0 =	sor.u32 s3, s0;
	s1 =	sshll.u32 s1, $0x11  }
0xba: {  	s0 =	sor.u32 s1, s0  }
0xbb: {  	s0 =	sadd.s32 $0x8F2B, s0  }
0xbc: {  	[sflag:s0] =	ssyncadd.remote.s32 $0x1  }
0xbd: {  	_ =	sfence.sel $0xFFFF  }
0xbe: {  	[dreg:$0x0] =	wrdreg $0xFFFFFFFF;
	(pc) =	sbr.abs _section_cstart, $3  }
0xbf: {  	[dreg:$0x1] =	wrdreg $0xFFFFFFFF  }
0xc0: {  	_ =	task.clear_ibuf [dreg:s6], $0x2FFFF;
	_ =	strace $0x9FFFFFFF  }
0xc1: {  	(tm) =	ssettm $0x7FFFFFFF  }
tec
execute0_lowered:
.L_overlay_start_1:
0x0: {  	(tag) =	ssettag $0x1  }
0x1: {  	s0 =	srdreg.scid;
	s5 =	rddreg [dreg:$0x0]  }
0x2: {  	s1 =	stileid.u32;
	s6 =	simm.s32 $0x1;
	s9 =	simm.s32 $0x1  }
0x3: {  	s10 =	simm.s32 $0x3;
	s13 =	simm.s32 $0x0;
	s2 =	sshll.u32 s0, $0x7  }
0x4: {  	s12 =	simm.s32 $0x0;
	s3 =	sshll.u32 s1, $0x8;
	s2 =	sand.u32 $0x80, s2  }
0x5: {  	s0 =	rddreg [dreg:$0x1];
	_ =	strace $0x80000047;
	s2 =	sor.u32 s3, s2  }
0x6: {  	s4 =	sadd.s32 $0x64A00, s5;
	[sflag:s6] =	ssyncpa.u1 $0x0;
	s8 =	ssub.s32 $0x1200, s2  }
.Ltmp0:
0x7: {  	s3 =	sadd.s32 $0x64600, s5;
	s7 =	sand.u32 $0xF80, s8;
	(pc) =	sbr.rel .LBB2_1-.Ltmp0, $4  }
0x8: {  	s5 =	sadd.s32 $0x64E00, s5;
	s11 =	smov.u32 s2;
	p0 =	sne.s32 s7, $0x0  }
0x9: {  	s8 =	sshrl.u32 s8, $0xC;
	s7 =	simm.s32 $0x2;
	s9 =	simm.s32 @!p0 $0x0  }
0xa: {  	[sflag:s7] =	ssyncpa.u1 $0x0;
	p0 =	por $0x0, $0x0;
	s8 =	sadd.s32 s9, s8  }
0xb: {  	vm0 =	vmmov $0xffff;
	[sflag:s10] =	ssyncpa.u1 $0x0;
	s10 =	simm.s32 $0x0;
	s9 =	sadd.s32 $0x1, s8  }
.LBB2_4:
0xc: {  	vm1 =	veq.s32 v0, $0x80000000;
	v63 =	vand.u32 $0x1F, v0;
	v2 =	vand.u32 $0xFF, v2  }
0xd: {  	v0 =	vsel vm1, $0xFFFFFFFF, v63;
	v2 =	vsel vm1, $0xFFFFFFFF, v2  }
0xe: {  	v3 =	vshll.u32 v0, $0x8;
	v4 =	vshll.u32 v2, $0x3  }
0xf: {  	v0 =	vshll.u32 v0, $0x7;
	v3 =	vand.u32 $0xFFFFF800, v3;
	v4 =	vand.u32 $0xFFFFFC00, v4  }
0x10: {  	v0 =	vand.u32 $0x380, v0;
	v3 =	vadd.s32 v3, v4  }
0x11: {  	v2 =	vand.u32 $0x7F, v2;
	v0 =	vor.u32 v0, v3  }
0x12: {  	v0 =	vor.u32 v2, v0;
	_ =	sdelay $0x1  }
0x13: {  	(ifvalue) =	ssetifvalue $0x7FFFFFFF;
	s14 =	sadd.s32 $0x10, s14  }
0x14: {  	[tilespmem:s14], [sflag:$0x1] =	stream.indirect_vreg.gather [hbm4b:s3+s10], $0x1, v1, vm0, $0x4038;
	[tilespmem:$0x200] =	vst v63  }
0x15: {  	(ifvalue) =	ssetifvalue $0x7FFFFFFF;
	s14 =	sadd.s32 $0x10, s14  }
0x16: {  	[tilespmem:s14], [sflag:$0x1] =	stream.indirect_vreg.gather [hbm4b:s3+s10], $0x1, v0, vm0, $0x4038;
	[tilespmem:$0x200] =	vst v63  }
0x17: {  	_ =	swait.ge [sflag:s6], $0x80  }
0x18: {  	s30 =	sshrl.u32 s13, $0x3;
	[sflag:s6] =	ssyncset.done $0x0  }
0x19: {  	s31 =	sand.u32 $0x7, s13;
	s14 =	sadd.s32 s5, s30;
	[sflag:s6] =	ssyncadd.s32 $0xFFFFFF80  }
0x1a: {  	[hbm4b:s14+s31] =	stream.linear.scatter [tilespmem:s15], [sflag:$0x3], $0x80, $0x38;
	[tilespmem:$0x200] =	vst v63  }
.LBB2_5:
0x1b: {  	s15 =	sadd.s32 $0x1000, s11  }
0x1c: {  	p2 =	sgt.s32 s15, $0x11FF  }
0x1d: {  	s15 =	smov.u32 @p2 s2;
	p2 =	sne.s32 s12, s9  }
.Ltmp1:
0x1e: {  	p1 =	slt.u32 s12, $0x2;
	(pc) =	sbr.rel @!p2 .LBB2_6-.Ltmp1, $4  }
0x1f: {  	s14 =	simm.s32 @!p1 $0x3  }
0x20: {  	s16 =	sadd.s32 $0x1, s12;
	_ =	swait.ge @!p1 [sflag:s14], $0x80  }
0x21: {  	s13 =	smov.u32 s11;
	p0 =	por !p0, !p0;
	[sflag:s14] =	ssyncset.done @!p1 $0x0  }
0x22: {  	s12 =	smov.u32 s16;
	s11 =	smov.u32 s15;
	[sflag:s14] =	ssyncadd.s32 @!p1 $0xFFFFFF80  }
.LBB2_1:
0x23: {  	p1 =	sge.u32 s12, s8  }
0x24: {  	s14 =	sxor.u32 @!p1 $0xFFFFFFFF, s12  }
0x25: {  	s31 =	sadd.s32 $0xFFFFFFFF, s12;
	s15 =	sshrl.u32 @!p1 s11, $0x3;
	s14 =	sshll.u32 @!p1 s14, $0x7  }
0x26: {  	s16 =	sand.u32 @!p1 $0x7, s11;
	s15 =	sadd.s32 @!p1 s4, s15;
	s14 =	sand.u32 @!p1 $0x80, s14  }
0x27: {  	[tilespmem:s14], [sflag:$0x2] =	stream.linear.gather @!p1 [hbm4b:s15+s16], $0x80, $0x38;
	[tilespmem:$0x200] =	vst v63  }
0x28: {  	p1 =	sge.u32 s31, s8  }
.Ltmp2:
0x29: {  	_ = 	snop;
	(pc) =	sbr.rel @p1 .LBB2_5-.Ltmp2, $1  }
0x2a: {  	_ =	sdelay $0x3  }
0x2b: {  	s14 =	simm.s32 $0x1  }
0x2c: {  	_ =	swait.ge [sflag:s7], $0x80;
	s14 =	simm.s32 @!p0 $0x0  }
0x2d: {  	[sflag:s7] =	ssyncset.done $0x0;
	s14 =	sshll.u32 s14, $0x7  }
0x2e: {  	[sflag:s7] =	ssyncadd.s32 $0xFFFFFF80;
	(ifvalue) =	ssetifvalue $0x7FFFFFFF;
	v0 =	vld.msk [tilespmem:s14+$0x0 ss:$0x1], $0xffff;
	_ =	sdelay $0x3  }
0x2f: {  	s15 =	sadd.s32 $0x10, s14  }
0x30: {  	v2 =	vld.msk [tilespmem:s15+$0x0 ss:$0x1], $0xffff;
	v1 =	vshrl.u32 v0, $0x5  }
0x31: {  	vm1 =	veq.s32 v0, $0x80000000;
	v0 =	vand.u32 $0x1F, v0;
	v1 =	vand.u32 $0xFF, v1  }
0x32: {  	v0 =	vsel vm1, $0xFFFFFFFF, v0;
	v1 =	vsel vm1, $0xFFFFFFFF, v1  }
0x33: {  	v3 =	vshll.u32 v0, $0x8;
	v4 =	vshll.u32 v1, $0x3  }
0x34: {  	v0 =	vshll.u32 v0, $0x7;
	v3 =	vand.u32 $0xFFFFF800, v3;
	v4 =	vand.u32 $0xFFFFFC00, v4  }
0x35: {  	vm1 =	veq.s32 v2, $0x80000000;
	v0 =	vand.u32 $0x380, v0;
	v3 =	vadd.s32 v3, v4  }
0x36: {  	v1 =	vand.u32 $0x7F, v1;
	v0 =	vor.u32 v0, v3;
	v3 =	vshrl.u32 v2, $0x5  }
0x37: {  	s17 =	sadd.s32 $0x10, s15;
	v2 =	vand.u32 $0x1F, v2;
	v1 =	vor.u32 v1, v0;
	v3 =	vand.u32 $0xFF, v3  }
0x38: {  	v0 =	vld.msk [tilespmem:s17+$0x0 ss:$0x1], $0xffff;
	v2 =	vsel vm1, $0xFFFFFFFF, v2;
	v3 =	vsel vm1, $0xFFFFFFFF, v3  }
0x39: {  	v63 =	vshll.u32 v2, $0x8;
	v5 =	vshll.u32 v3, $0x3  }
0x3a: {  	s31 =	sshll.u32 s12, $0x7;
	v2 =	vshll.u32 v2, $0x7;
	v4 =	vand.u32 $0xFFFFF800, v63;
	v5 =	vand.u32 $0xFFFFFC00, v5  }
0x3b: {  	s14 =	sor.u32 $0x100, s14;
	s15 =	sand.u32 $0x80, s31;
	(ifvalue) =	ssetifvalue $0x7FFFFFFF;
	v2 =	vand.u32 $0x380, v2;
	v4 =	vadd.s32 v4, v5  }
0x3c: {  	[tilespmem:s14], [sflag:$0x1] =	stream.indirect_vreg.gather [hbm4b:s3+s10], $0x1, v1, vm0, $0x4038;
	v1 =	vand.u32 $0x7F, v3;
	v3 =	vor.u32 v2, v4;
	[tilespmem:$0x200] =	vst v63  }
0x3d: {  	s16 =	simm.s32 $0x20;
	s15 =	sor.u32 $0x100, s15;
	s17 =	sadd.s32 $0x10, s17;
	v2 =	vshrl.u32 v0, $0x5;
	v1 =	vor.u32 v1, v3  }
.LBB2_3:
0x3e: {  	s16 =	sadd.s32 $0x10, s16;
	vm1 =	veq.s32 v0, $0x80000000;
	v3 =	vand.u32 $0x1F, v0;
	v0 =	vld.msk [tilespmem:s17+$0x0 ss:$0x1], $0xffff;
	v2 =	vand.u32 $0xFF, v2  }
0x3f: {  	p1 =	slt.u32 s16, $0x70;
	v3 =	vsel vm1, $0xFFFFFFFF, v3;
	v2 =	vsel vm1, $0xFFFFFFFF, v2  }
.Ltmp3:
0x40: {  	v4 =	vshll.u32 v3, $0x8;
	v5 =	vshll.u32 v2, $0x3;
	(pc) =	sbr.rel @p1 .LBB2_3-.Ltmp3, $4  }
0x41: {  	s14 =	sadd.s32 $0x10, s14;
	v3 =	vshll.u32 v3, $0x7;
	v4 =	vand.u32 $0xFFFFF800, v4;
	v5 =	vand.u32 $0xFFFFFC00, v5;
	(ifvalue) =	ssetifvalue $0x7FFFFFFF  }
0x42: {  	v3 =	vand.u32 $0x380, v3;
	v4 =	vadd.s32 v4, v5;
	[tilespmem:s14], [sflag:$0x1] =	stream.indirect_vreg.gather [hbm4b:s3+s10], $0x1, v1, vm0, $0x4038;
	[tilespmem:$0x200] =	vst v63  }
0x43: {  	v1 =	vand.u32 $0x7F, v2;
	v3 =	vor.u32 v3, v4  }
0x44: {  	s17 =	sadd.s32 $0x10, s17;
	v2 =	vshrl.u32 v0, $0x5;
	v1 =	vor.u32 v1, v3  }
.Ltmp4:
0x45: {  	_ = 	snop;
	(pc) =	sbr.rel .LBB2_4-.Ltmp4, $1  }
0x46: {  	_ =	sdelay $0x3  }
.LBB2_6:
0x47: {  	_ =	sfence.sel $0x180000  }
0x48: {  	s2 =	simm.s32 $0x2;
	[bflag:$0x0] =	sbarrier.arrive $0xFFFF  }
0x49: {  	s30 =	simm.s32 $0x3;
	[sflag:s2] =	ssyncpa.u1 $0x1  }
0x4a: {  	s31 =	simm.s32 $0x1;
	[sflag:s30] =	ssyncpa.u1 $0x1  }
0x4b: {  	[sflag:s31] =	ssyncpa.u1 $0x1  }
0x4c: {  	p0 =	sne.s32 s1, $0x0;
	_ =	strace $0x90000047  }
0x4d: {  	s0 =	sadd.s32 @!p0 $0x100000, s0;
	[bflag:$0x2] =	sbarrier.arrive $0xFFFF  }
0x4e: {  	[sflag:s0] =	ssyncadd.tile.s32 @!p0 $0x1;
	_ =	shalt  }
.Lfunc_end2:
_tile_overlayer_lowered:
.L_overlay_start_2:
0x4f: {  	(tag) =	ssettag $0x2  }
0x50: {  	s0 =	rddreg [dreg:$0x0];
	s2 =	stileid.u32  }
0x51: {  	s1 =	rddreg [dreg:$0x1];
	p0 =	sne.s32 s2, $0x0  }
0x52: {  	s3 =	rddreg [dreg:$0x2];
	[bflag:$0x3] =	sbarrier.arrive $0xFFFF;
	s2 =	simm.s32 @!p0 $0x1C01  }
0x53: {  	[timem:s3], [sflag:s2] =	dma.local @!p0 [hbm:s0], s1  }
0x54: {  	s0 =	simm.s32 @!p0 $0x1  }
0x55: {  	_ =	swait.ge @!p0 [sflag:s0], s1  }
0x56: {  	s1 =	ssub.s32 @!p0 $0x0, s1;
	[sflag:s0] =	ssyncset.done @!p0 $0x0  }
0x57: {  	[sflag:s0] =	ssyncadd.s32 @!p0 s1  }
0x58: {  	[bflag:$0x3] =	sbarrier.arrive $0xFFFF  }
0x59: {  	_ =	shalt  }

// kernel: gather_offload_async_start
scs
__scs_entry_jumppad:
0x0: {  	(pc) =	sbr.rel $0x88, $3  }
0x1: {  	(tag) =	ssettag $0x0;
	lr =	simm.s32 $0x1  }
0x2: {  	[smem:$0x3F9E] =	sst lr;
	_ =	strace $0xD0000000  }
0x3: {  	_ = 	snop  }
0x4: {  	_ = 	snop  }
0x5: {  	_ = 	snop  }
0x6: {  	_ = 	snop  }
0x7: {  	_ = 	snop  }
__scs_overlays_trampoline_lowered:
0x8: {  	[smem:$0x3FAD] =	sst s0  }
0x9: {  	[smem:$0x3FAE] =	sst s1  }
0xa: {  	[smem:$0x3FAF] =	sst s2  }
0xb: {  	[smem:$0x3FB0] =	sst s3  }
0xc: {  	[smem:$0x3FB1] =	sst s4  }
0xd: {  	[smem:$0x3FB2] =	sst s5  }
0xe: {  	[smem:$0x3FB3] =	sst s6  }
0xf: {  	[smem:$0x3FB4] =	sst s7  }
0x10: {  	[smem:$0x3FB5] =	sst s8  }
0x11: {  	[smem:$0x3FB6] =	sst s9;
	s0 =	simm.s32 @!p0 $0x0  }
0x12: {  	s1 =	sld [smem:$0x3F9C];
	s0 =	simm.s32 @p0 $0x1  }
0x13: {  	[smem:$0x3FB7] =	sst s0;
	s0 =	simm.s32 @!p1 $0x0  }
0x14: {  	s2 =	sld [smem:$0x3F9B];
	s0 =	simm.s32 @p1 $0x1  }
0x15: {  	[smem:$0x3FB8] =	sst s0;
	s0 =	simm.s32 @!p2 $0x0  }
0x16: {  	s3 =	sld [smem:$0x3FDB];
	s0 =	simm.s32 @p2 $0x1  }
0x17: {  	s4 =	simm.s32 $0x1BF5;
	[smem:$0x3FBA] =	sst s0  }
0x18: {  	s0 =	sld [smem:$0x3F9D];
	_ =	swait.ge [sflag:s4], $0x0  }
0x19: {  	s7 =	sld [smem:$0x3F9E]  }
0x1a: {  	s8 =	sadd.s32 $0xFFFFE003, lr  }
0x1b: {  	s9 =	sadd.s32 $0xFFFFFEF7, lr;
	s5 =	simm.s32 $0xFFFFFFFF;
	p2 =	slt.u32 s8, $0xFFFFF086  }
0x1c: {  	p1 =	slt.u32 s9, $0xF7A;
	s5 =	simm.s32 @!p2 $0x0  }
0x1d: {  	s5 =	simm.s32 @p1 $0x1;
	p0 =	seq.s32 s7, s2  }
0x1e: {  	s7 =	smul.u32 @!p0 $0xF7A, s2;
	p2 =	seq.s32 @!p0 s5, $0x0  }
0x1f: {  	s9 =	smul.u32 $0xF7A, s1;
	s8 =	simm.s32 @!p0 $0x1BF5;
	p2 =	por !p2, p0  }
0x20: {  	[sflag:s8] =	ssyncset.s32 @!p0 $0xFFFFF086;
	s6 =	sadd.s32 @!p0 s3, s7;
	s7 =	simm.s32 @!p0 $0x108  }
0x21: {  	s3 =	sadd.s32 s3, s9;
	s6 =	sadd.s32 @!p0 $0x88, s6;
	s7 =	simm.s32 @p2 $0x1082  }
0x22: {  	[simem:s7], [sflag:s8] =	dma.local @!p0 [hbm:s6], $0xF7A  }
0x23: {  	s9 =	sor.u32 $0xD0000000, s2;
	s6 =	simm.s32 $0x108;
	_ =	swait.ge @!p0 [sflag:s8], $0x0  }
0x24: {  	s3 =	sadd.s32 $0x88, s3;
	s6 =	simm.s32 @!p1 $0x1082;
	[sflag:s4] =	ssyncset.s32 $0xFFFFF086  }
0x25: {  	[simem:s6], [sflag:s4] =	dma.local [hbm:s3], $0xF7A  }
0x26: {  	[smem:$0x3F9E] =	sst s1;
	(tag) =	ssettag s2;
	_ =	strace s9  }
0x27: {  	s1 =	sld [smem:$0x3FAE]  }
0x28: {  	s2 =	sld [smem:$0x3FAF]  }
0x29: {  	s4 =	sld [smem:$0x3FB1]  }
0x2a: {  	p0 =	seq.s32 s5, $0x0;
	s5 =	sld [smem:$0x3FB2]  }
0x2b: {  	s6 =	sld [smem:$0x3FB3]  }
0x2c: {  	s7 =	sld [smem:$0x3FB4]  }
0x2d: {  	s3 =	simm.s32 $0x108;
	s8 =	sld [smem:$0x3FB5]  }
0x2e: {  	s3 =	simm.s32 @!p0 $0x1082;
	s9 =	sld [smem:$0x3FB6]  }
0x2f: {  	lr =	sadd.s32 s0, s3;
	s0 =	sld [smem:$0x3FAD]  }
0x30: {  	s3 =	sld [smem:$0x3FB0]  }
0x31: {  	[smem:$0x3FB9] =	sst s10  }
0x32: {  	s10 =	sld [smem:$0x3FB7];
	_ =	sdelay $0x3  }
0x33: {  	p0 =	seq.s32 s10, $0x1;
	s10 =	sld [smem:$0x3FB9];
	_ =	sdelay $0x3  }
0x34: {  	[smem:$0x3FB9] =	sst s10  }
0x35: {  	s10 =	sld [smem:$0x3FB8];
	_ =	sdelay $0x3  }
0x36: {  	p1 =	seq.s32 s10, $0x1;
	s10 =	sld [smem:$0x3FB9];
	_ =	sdelay $0x3  }
0x37: {  	[smem:$0x3FB9] =	sst s10  }
0x38: {  	s10 =	sld [smem:$0x3FBA]  }
0x39: {  	_ = 	snop;
	(pc) =	sbr.ind lr, $3  }
0x3a: {  	_ = 	snop  }
0x3b: {  	_ = 	snop  }
0x3c: {  	p2 =	seq.s32 s10, $0x1;
	s10 =	sld [smem:$0x3FB9]  }
0x3d: {  	_ =	shalt  }
0x3e: {  	_ =	shalt  }
0x3f: {  	_ =	shalt  }
0x40: {  	_ =	shalt  }
0x41: {  	_ =	shalt  }
0x42: {  	_ =	shalt  }
0x43: {  	_ =	shalt  }
0x44: {  	_ =	shalt  }
0x45: {  	_ =	shalt  }
0x46: {  	_ =	shalt  }
0x47: {  	_ =	shalt  }
0x48: {  	_ =	shalt  }
0x49: {  	_ =	shalt  }
0x4a: {  	_ =	shalt  }
0x4b: {  	_ =	shalt  }
0x4c: {  	_ =	shalt  }
0x4d: {  	_ =	shalt  }
0x4e: {  	_ =	shalt  }
0x4f: {  	_ =	shalt  }
0x50: {  	_ =	shalt  }
0x51: {  	_ =	shalt  }
0x52: {  	_ =	shalt  }
0x53: {  	_ =	shalt  }
0x54: {  	_ =	shalt  }
0x55: {  	_ =	shalt  }
0x56: {  	_ =	shalt  }
0x57: {  	_ =	shalt  }
0x58: {  	_ =	shalt  }
0x59: {  	_ =	shalt  }
0x5a: {  	_ =	shalt  }
0x5b: {  	_ =	shalt  }
0x5c: {  	_ =	shalt  }
0x5d: {  	_ =	shalt  }
0x5e: {  	_ =	shalt  }
0x5f: {  	_ =	shalt  }
0x60: {  	_ =	shalt  }
0x61: {  	_ =	shalt  }
0x62: {  	_ =	shalt  }
0x63: {  	_ =	shalt  }
0x64: {  	_ =	shalt  }
0x65: {  	_ =	shalt  }
0x66: {  	_ =	shalt  }
0x67: {  	_ =	shalt  }
0x68: {  	_ =	shalt  }
0x69: {  	_ =	shalt  }
0x6a: {  	_ =	shalt  }
0x6b: {  	_ =	shalt  }
0x6c: {  	_ =	shalt  }
0x6d: {  	_ =	shalt  }
0x6e: {  	_ =	shalt  }
0x6f: {  	_ =	shalt  }
0x70: {  	_ =	shalt  }
0x71: {  	_ =	shalt  }
0x72: {  	_ =	shalt  }
0x73: {  	_ =	shalt  }
0x74: {  	_ =	shalt  }
0x75: {  	_ =	shalt  }
0x76: {  	_ =	shalt  }
0x77: {  	_ =	shalt  }
0x78: {  	_ =	shalt  }
0x79: {  	_ =	shalt  }
0x7a: {  	_ =	shalt  }
0x7b: {  	_ =	shalt  }
0x7c: {  	_ =	shalt  }
0x7d: {  	_ =	shalt  }
0x7e: {  	_ =	shalt  }
0x7f: {  	_ =	shalt  }
0x80: {  	_ =	shalt  }
0x81: {  	_ =	shalt  }
0x82: {  	_ =	shalt  }
0x83: {  	_ =	shalt  }
0x84: {  	_ =	shalt  }
0x85: {  	_ =	shalt  }
0x86: {  	_ =	shalt  }
0x87: {  	_ =	shalt  }
.Lfunc_end0:
.L_simem_size_0:
called_computation.1_lowered:
.L_overlay_start_0:
0x88: {  	s2 =	sld [smem:$0x3FD9]  }
0x89: {  	s3 =	sld [smem:$0x3FFE];
	_ =	sdelay $0x1  }
0x8a: {  	s1 =	srdreg.scid  }
0x8b: {  	s0 =	sand.u32 $0x1, s1  }
0x8c: {  	s17 =	sshll.u32 s0, $0xA;
	s2 =	sadd.s32 s3, s2  }
0x8d: {  	s2 =	sadd.s32 s2, s17  }
0x8e: {  	[smem:$0x3FC5] =	sst s2  }
0x8f: {  	_ = 	snop  }
0x90: {  	(tm) =	ssettm $0x1  }
0x91: {  	s18 =	sld [smem:$0x3FFB];
	_ =	sdelay $0x3  }
0x92: {  	_ =	strace s18  }
0x93: {  	s2 =	sld [smem:$0x3FFC];
	_ =	sdelay $0x3  }
0x94: {  	_ =	strace s2  }
0x95: {  	s2 =	sld [smem:$0x3FFD];
	_ =	sdelay $0x3  }
0x96: {  	_ =	strace s2  }
0x97: {  	_ =	strace $0x8FFFFFFF  }
0x98: {  	s19 =	sld [smem:$0x3FDB];
	_ =	sdelay $0x1  }
0x99: {  	s20 =	simm.s32 $_scs_section_size  }
0x9a: {  	s4 =	simm.s32 $_size__tile_overlayer_lowered;
	s5 =	simm.s32 $_tile_overlayer_lowered  }
0x9b: {  	s6 =	simm.s32 $0x1BFF;
	s21 =	sshll.u32 s5, $0x1;
	s3 =	sadd.s32 s20, s19  }
0x9c: {  	s22 =	simm.s32 $0x0;
	s4 =	sshll.u32 s4, $0x1;
	s5 =	sadd.s32 s21, s3  }
0x9d: {  	[timem:s22], [sflag:s6] =	dma.local [hbm:s5], s4  }
0x9e: {  	_ =	swait.ge [sflag:s6], s4  }
0x9f: {  	s4 =	ssub.s32 $0x0, s4;
	[sflag:s6] =	ssyncset.done $0x0  }
0xa0: {  	[sflag:s6] =	ssyncadd.s32 s4;
	_ =	sdelay $0x1  }
0xa1: {  	s23 =	simm.s32 $0x1B8B  }
0xa2: {  	_ =	swait.ge [sflag:s23], $0x1  }
0xa3: {  	[sflag:s23] =	ssyncset.done $0x0  }
0xa4: {  	[sflag:s23] =	ssyncadd.s32 $0xFFFFFFFF  }
0xa5: {  	s4 =	sld [smem:$0x0]  }
0xa6: {  	s5 =	sand.u32 $0xFFFFFFFE, s1  }
0xa7: {  	p0 =	sne.s32 s1, s5  }
0xa8: {  	s5 =	sshll.u32 @p0 s5, $0xE  }
0xa9: {  	s5 =	sadd.s32 @p0 $0x11B8D, s5;
	s6 =	sshll.u32 @p0 s4, $0x11  }
0xaa: {  	s5 =	sor.u32 @p0 s6, s5  }
0xab: {  	[sflag:s5] =	ssyncadd.remote.s32 @p0 $0x1;
	_ =	sdelay $0x1  }
0xac: {  	s5 =	simm.s32 @p0 $0x1B8D  }
0xad: {  	_ =	swait.eq @p0 [sflag:s5], $0x1  }
0xae: {  	[sflag:s5] =	ssyncadd.s32 @p0 $0xFFFFFFFF  }
0xaf: {  	s6 =	sshll.u32 @!p0 s1, $0xE  }
0xb0: {  	s6 =	sor.u32 @!p0 $0x4000, s6;
	s5 =	simm.s32 @!p0 $0x1B8D  }
0xb1: {  	s4 =	sshll.u32 @!p0 s4, $0x11;
	s6 =	sadd.s32 @!p0 $0x11B8D, s6;
	_ =	swait.eq @!p0 [sflag:s5], $0x1  }
0xb2: {  	s4 =	sor.u32 @!p0 s4, s6;
	[sflag:s5] =	ssyncadd.s32 @!p0 $0xFFFFFFFF  }
0xb3: {  	s25 =	simm.s32 $0x1B8E;
	s24 =	sld [smem:$0x3FFE];
	[sflag:s4] =	ssyncadd.remote.s32 @!p0 $0x1  }
0xb4: {  	s26 =	simm.s32 $execute0_lowered;
	[smem:$0x3FD2] =	sst s25  }
0xb5: {  	s5 =	sshll.u32 s26, $0x1;
	_ =	strace $0x80000049;
	[dreg:$0x1] =	wrdreg $0xFFFFFFFF  }
0xb6: {  	s28 =	simm.s32 $_size_execute0_lowered;
	s3 =	sadd.s32 s3, s5;
	[dreg:$0x0] =	wrdreg $0x0  }
0xb7: {  	s5 =	sshll.u32 s28, $0x1;
	[dreg:$0x2] =	wrdreg s3  }
0xb8: {  	[dreg:$0x3] =	wrdreg s5  }
0xb9: {  	[dreg:$0x4] =	wrdreg $0xC0  }
0xba: {  	_ =	task [dreg:s22], $0x5FFFF  }
0xbb: {  	[dreg:$0x1] =	wrdreg $0xFFFFFFFF  }
0xbc: {  	[dreg:$0x0] =	wrdreg $0x60  }
0xbd: {  	[dreg:$0x2] =	wrdreg s24  }
0xbe: {  	[dreg:$0x3] =	wrdreg $0x9  }
0xbf: {  	_ =	task.clear_ibuf [dreg:s22], $0x4FFFF;
	_ =	strace $0x90000049  }
0xc0: {  	s29 =	simm.s32 $0x9;
	_ =	strace $0x8000004B  }
0xc1: {  	_ =	swait.ge [sflag:s29], $0x1  }
0xc2: {  	[sflag:s29] =	ssyncadd.s32 $0xFFFFFFFF  }
0xc3: {  	_ =	strace $0x9000004B  }
0xc4: {  	_ =	sfence  }
0xc5: {  	s30 =	sld [smem:$0x0];
	_ =	sdelay $0x2  }
0xc6: {  	s31 =	sshll.u32 s1, $0xD;
	s1 =	sshrl.u32 s1, $0x2  }
0xc7: {  	s4 =	sand.u32 $0x4000, s31;
	s1 =	sadd.s32 s1, s30  }
0xc8: {  	s0 =	sor.u32 s4, s0;
	s1 =	sshll.u32 s1, $0x11  }
0xc9: {  	s0 =	sor.u32 s1, s0  }
0xca: {  	s0 =	sadd.s32 $0x8F2B, s0  }
0xcb: {  	[sflag:s0] =	ssyncadd.remote.s32 $0x1  }
0xcc: {  	_ =	sfence.sel $0xFFFF  }
0xcd: {  	[dreg:$0x0] =	wrdreg $0xFFFFFFFF;
	(pc) =	sbr.abs _section_cstart, $3  }
0xce: {  	[dreg:$0x1] =	wrdreg $0xFFFFFFFF  }
0xcf: {  	_ =	task.clear_ibuf [dreg:s22], $0x2FFFF;
	_ =	strace $0x9FFFFFFF  }
0xd0: {  	(tm) =	ssettm $0x7FFFFFFF  }
0xd1: {  	_ =	shalt  }
tec
execute0_lowered:
.L_overlay_start_1:
0x0: {  	(tag) =	ssettag $0x1  }
0x1: {  	s0 =	srdreg.scid  }
0x2: {  	s1 =	sshll.u32 s0, $0x4  }
0x3: {  	s0 =	stileid.u32;
	s1 =	sand.u32 $0x10, s1  }
0x4: {  	s1 =	sor.u32 s0, s1  }
0x5: {  	s9 =	rddreg [dreg:$0x0];
	s6 =	simm.s32 $0x1;
	s2 =	smin.u32 s1, $0x4  }
0x6: {  	p0 =	slt.u32 s1, $0x4;
	s2 =	sadd.s32 s1, s2;
	s1 =	simm.s32 $0x100  }
0x7: {  	s7 =	simm.s32 $0x2;
	s2 =	sshll.u32 s2, $0x7;
	s1 =	simm.s32 @!p0 $0x80  }
0x8: {  	s10 =	simm.s32 $0x3;
	s13 =	simm.s32 $0x0;
	s3 =	sadd.s32 s1, s2  }
0x9: {  	s12 =	simm.s32 $0x0;
	s4 =	sadd.s32 $0x40600, s9;
	s3 =	smin.u32 s3, $0x1200  }
.Ltmp0:
0xa: {  	s5 =	sadd.s32 $0x64A00, s9;
	s8 =	ssub.s32 s3, s2;
	(pc) =	sbr.rel .LBB2_1-.Ltmp0, $4  }
0xb: {  	s1 =	rddreg [dreg:$0x1];
	_ =	strace $0x8000004A;
	p0 =	sgt.s32 s8, $0x0  }
0xc: {  	s9 =	sadd.s32 $0x65200, s9;
	[sflag:s6] =	ssyncpa.u1 $0x0;
	s8 =	simm.s32 @!p0 $0x0  }
0xd: {  	s11 =	smov.u32 s2;
	[sflag:s7] =	ssyncpa.u1 $0x0;
	s8 =	sshrl.u32 s8, $0x7  }
0xe: {  	vm0 =	vmmov $0xff;
	vm1 =	vcmask $0x3F20;
	[sflag:s10] =	ssyncpa.u1 $0x0;
	p0 =	por $0x0, $0x0;
	s10 =	sadd.s32 $0x1, s8  }
.LBB2_8:
0xf: {  	[hbm:s17] =	stream.linear.scatter [tilespmem:s14], [sflag:$0x3], $0x800, $0x38;
	[tilespmem:$0x10100] =	vst v63  }
.LBB2_9:
0x10: {  	s13 =	sadd.s32 $0x80, s11  }
0x11: {  	s15 =	smov.u32 s2;
	p2 =	slt.s32 s13, s3  }
0x12: {  	s15 =	smov.u32 @p2 s13;
	p2 =	sne.s32 s12, s10  }
.Ltmp1:
0x13: {  	p1 =	slt.u32 s12, $0x2;
	(pc) =	sbr.rel @!p2 .LBB2_10-.Ltmp1, $4  }
0x14: {  	s14 =	simm.s32 @!p1 $0x3  }
0x15: {  	s16 =	sadd.s32 $0x1, s12;
	_ =	swait.ge @!p1 [sflag:s14], $0x8000  }
0x16: {  	p0 =	por !p0, !p0;
	s13 =	smov.u32 s11;
	[sflag:s14] =	ssyncset.done @!p1 $0x0  }
0x17: {  	s12 =	smov.u32 s16;
	s11 =	smov.u32 s15;
	[sflag:s14] =	ssyncadd.s32 @!p1 $0xFFFF8000  }
.LBB2_1:
0x18: {  	p1 =	sge.u32 s12, s8  }
0x19: {  	s14 =	sxor.u32 @!p1 $0xFFFFFFFF, s12  }
0x1a: {  	s31 =	sadd.s32 $0xFFFFFFFF, s12;
	s15 =	sshrl.u32 @!p1 s11, $0x3;
	s14 =	sshll.u32 @!p1 s14, $0x7  }
0x1b: {  	s16 =	sand.u32 @!p1 $0x7, s11;
	s15 =	sadd.s32 @!p1 s5, s15;
	s14 =	sand.u32 @!p1 $0x80, s14  }
0x1c: {  	[tilespmem:s14], [sflag:$0x2] =	stream.linear.gather @!p1 [hbm4b:s15+s16], $0x80, $0x38;
	[tilespmem:$0x10100] =	vst v63  }
0x1d: {  	p1 =	sge.u32 s31, s8  }
.Ltmp2:
0x1e: {  	_ = 	snop;
	(pc) =	sbr.rel @p1 .LBB2_9-.Ltmp2, $1  }
0x1f: {  	_ =	sdelay $0x3  }
0x20: {  	s14 =	simm.s32 $0x1;
	_ =	swait.ge [sflag:s7], $0x80;
	s15 =	sand.u32 $0x1, s12  }
0x21: {  	s17 =	simm.s32 $0x0;
	s14 =	simm.s32 @!p0 $0x0;
	[sflag:s7] =	ssyncset.done $0x0  }
0x22: {  	s16 =	sshll.u32 s15, $0xF;
	s15 =	sshll.u32 s15, $0x7;
	s14 =	sshll.u32 s14, $0xF  }
0x23: {  	[sflag:s7] =	ssyncadd.s32 $0xFFFFFF80;
	s16 =	sor.u32 $0x100, s16;
	s14 =	sor.u32 $0x100, s14  }
.LBB2_3:
0x24: {  	s18 =	sshll.u32 s17, $0x4  }
0x25: {  	s18 =	sand.u32 $0x3FFFFFF0, s18  }
0x26: {  	s18 =	sadd.s32 s18, s15  }
0x27: {  	v0 =	vld.msk [tilespmem:s18+$0x0 ss:$0x1], $0xffff;
	_ =	sdelay $0x4  }
0x28: {  	v1 =	vshrl.u32 v0, $0x5  }
0x29: {  	vm2 =	veq.s32 v0, $0x80000000;
	v1 =	vand.u32 $0xFF, v1  }
0x2a: {  	v0 =	vshll.u32 v0, $0x10;
	v1 =	vsel vm2, $0xFFFFFFFF, v1  }
0x2b: {  	v0 =	vand.u32 $0x1F0000, v0;
	v2 =	vshll.u32 v1, $0x8  }
0x2c: {  	v0 =	vsel vm2, $0xFFFF0000, v0;
	v1 =	vshll.u32 v1, $0x7;
	v2 =	vand.u32 $0xFFFFF800, v2  }
0x2d: {  	s31 =	sshll.u32 s17, $0xC;
	v1 =	vand.u32 $0x380, v1;
	v0 =	vadd.s32 v0, v2  }
0x2e: {  	s18 =	sand.u32 $0x3FFFF000, s31;
	v0 =	vor.u32 v1, v0  }
0x2f: {  	p1 =	por $0x1, $0x1;
	s19 =	simm.s32 $0x0;
	s18 =	sadd.s32 s18, s16;
	v0 =	vshrl.u32 v0, $0x3  }
.LBB2_4:
0x30: {  	_ =	sdelay $0x1  }
0x31: {  	s19 =	sshra.s32 s19, $0x2;
	p2 =	por p1, p1  }
.Ltmp3:
0x32: {  	s19 =	sadd.s32 s19, s18;
	(pc) =	sbr.rel @p2 .LBB2_4-.Ltmp3, $4  }
0x33: {  	[tilespmem:s19], [sflag:$0x1] =	stream.indirect_vreg.gather [hbm:s4], $0x80, v0, vm0, $0x38;
	[tilespmem:$0x10100] =	vst v63  }
0x34: {  	s19 =	sadd.s32 $0x800, s19  }
0x35: {  	[tilespmem:s19], [sflag:$0x1] =	stream.indirect_vreg.gather [hbm:s4], $0x80, v0, vm1, $0x38;
	[tilespmem:$0x10100] =	vst v63  }
0x36: {  	p1 =	por $0x0, $0x0;
	v0 =	vadd.s32 $0x80, v0;
	s19 =	simm.s32 $0x1000  }
0x37: {  	s17 =	sadd.s32 $0x1, s17  }
0x38: {  	p1 =	sne.s32 s17, $0x8  }
.Ltmp4:
0x39: {  	_ = 	snop;
	(pc) =	sbr.rel @p1 .LBB2_3-.Ltmp4, $1  }
0x3a: {  	_ =	sdelay $0x3  }
0x3b: {  	s15 =	sshll.u32 s13, $0x5  }
0x3c: {  	s31 =	sshll.u32 s13, $0x4;
	s15 =	sand.u32 $0xFFFFFF00, s15  }
0x3d: {  	_ =	swait.ge [sflag:s6], $0x8000;
	s13 =	sand.u32 $0x70, s31;
	s15 =	sadd.s32 s15, s9  }
0x3e: {  	s16 =	sadd.s32 $0x800, s14;
	[sflag:s6] =	ssyncset.done $0x0;
	s13 =	sadd.s32 s13, s15  }
0x3f: {  	[sflag:s6] =	ssyncadd.s32 $0xFFFF8000;
	s15 =	simm.s32 $0x100;
	s17 =	sadd.s32 $0x0, s13  }
.LBB2_7:
0x40: {  	[hbm:s17] =	stream.linear.scatter [tilespmem:s14], [sflag:$0x3], $0x800, $0x38;
	[tilespmem:$0x10100] =	vst v63  }
0x41: {  	s17 =	smov.u32 s15;
	s14 =	smov.u32 s16;
	p1 =	sne.s32 s15, $0xF00  }
.Ltmp5:
0x42: {  	s15 =	sadd.s32 $0x100, s15;
	(pc) =	sbr.rel @p1 .LBB2_7-.Ltmp5, $2  }
0x43: {  	_ =	sdelay $0x2  }
0x44: {  	s16 =	sadd.s32 $0x800, s16;
	s17 =	sadd.s32 s17, s13  }
.Ltmp6:
0x45: {  	_ = 	snop;
	(pc) =	sbr.rel .LBB2_8-.Ltmp6, $1  }
0x46: {  	_ =	sdelay $0x3  }
.LBB2_10:
0x47: {  	_ =	sfence.sel $0x180000  }
0x48: {  	s2 =	simm.s32 $0x2;
	[bflag:$0x0] =	sbarrier.arrive $0xFFFF  }
0x49: {  	s30 =	simm.s32 $0x3;
	[sflag:s2] =	ssyncpa.u1 $0x1  }
0x4a: {  	s31 =	simm.s32 $0x1;
	[sflag:s30] =	ssyncpa.u1 $0x1  }
0x4b: {  	[sflag:s31] =	ssyncpa.u1 $0x1  }
0x4c: {  	p0 =	sne.s32 s0, $0x0;
	_ =	strace $0x9000004A  }
0x4d: {  	s0 =	sadd.s32 @!p0 $0x100000, s1;
	[bflag:$0x2] =	sbarrier.arrive $0xFFFF  }
0x4e: {  	[sflag:s0] =	ssyncadd.tile.s32 @!p0 $0x1;
	_ =	shalt  }
.Lfunc_end2:
_tile_overlayer_lowered:
.L_overlay_start_2:
0x4f: {  	(tag) =	ssettag $0x2  }
0x50: {  	s0 =	rddreg [dreg:$0x0];
	s2 =	stileid.u32  }
0x51: {  	s1 =	rddreg [dreg:$0x1];
	p0 =	sne.s32 s2, $0x0  }
0x52: {  	s3 =	rddreg [dreg:$0x2];
	[bflag:$0x3] =	sbarrier.arrive $0xFFFF;
	s2 =	simm.s32 @!p0 $0x1C01  }
0x53: {  	[timem:s3], [sflag:s2] =	dma.local @!p0 [hbm:s0], s1  }
0x54: {  	s0 =	simm.s32 @!p0 $0x1  }
0x55: {  	_ =	swait.ge @!p0 [sflag:s0], s1  }
0x56: {  	s1 =	ssub.s32 @!p0 $0x0, s1;
	[sflag:s0] =	ssyncset.done @!p0 $0x0  }
0x57: {  	[sflag:s0] =	ssyncadd.s32 @!p0 s1  }
0x58: {  	[bflag:$0x3] =	sbarrier.arrive $0xFFFF  }
0x59: {  	_ =	shalt  }

// kernel: kernel.7.cloned.1.call-start
scs
__scs_entry_jumppad:
0x0: {  	(pc) =	sbr.rel $0x88, $3  }
0x1: {  	(tag) =	ssettag $0x0;
	lr =	simm.s32 $0x1  }
0x2: {  	[smem:$0x3F9E] =	sst lr;
	_ =	strace $0xD0000000  }
0x3: {  	_ = 	snop  }
0x4: {  	_ = 	snop  }
0x5: {  	_ = 	snop  }
0x6: {  	_ = 	snop  }
0x7: {  	_ = 	snop  }
__scs_overlays_trampoline_lowered:
0x8: {  	[smem:$0x3FAD] =	sst s0  }
0x9: {  	[smem:$0x3FAE] =	sst s1  }
0xa: {  	[smem:$0x3FAF] =	sst s2  }
0xb: {  	[smem:$0x3FB0] =	sst s3  }
0xc: {  	[smem:$0x3FB1] =	sst s4  }
0xd: {  	[smem:$0x3FB2] =	sst s5  }
0xe: {  	[smem:$0x3FB3] =	sst s6  }
0xf: {  	[smem:$0x3FB4] =	sst s7  }
0x10: {  	[smem:$0x3FB5] =	sst s8  }
0x11: {  	[smem:$0x3FB6] =	sst s9;
	s0 =	simm.s32 @!p0 $0x0  }
0x12: {  	s1 =	sld [smem:$0x3F9C];
	s0 =	simm.s32 @p0 $0x1  }
0x13: {  	[smem:$0x3FB7] =	sst s0;
	s0 =	simm.s32 @!p1 $0x0  }
0x14: {  	s2 =	sld [smem:$0x3F9B];
	s0 =	simm.s32 @p1 $0x1  }
0x15: {  	[smem:$0x3FB8] =	sst s0;
	s0 =	simm.s32 @!p2 $0x0  }
0x16: {  	s3 =	sld [smem:$0x3FDB];
	s0 =	simm.s32 @p2 $0x1  }
0x17: {  	s4 =	simm.s32 $0x1BF5;
	[smem:$0x3FBA] =	sst s0  }
0x18: {  	s0 =	sld [smem:$0x3F9D];
	_ =	swait.ge [sflag:s4], $0x0  }
0x19: {  	s7 =	sld [smem:$0x3F9E]  }
0x1a: {  	s8 =	sadd.s32 $0xFFFFE003, lr  }
0x1b: {  	s9 =	sadd.s32 $0xFFFFFEF7, lr;
	s5 =	simm.s32 $0xFFFFFFFF;
	p2 =	slt.u32 s8, $0xFFFFF086  }
0x1c: {  	p1 =	slt.u32 s9, $0xF7A;
	s5 =	simm.s32 @!p2 $0x0  }
0x1d: {  	s5 =	simm.s32 @p1 $0x1;
	p0 =	seq.s32 s7, s2  }
0x1e: {  	s7 =	smul.u32 @!p0 $0xF7A, s2;
	p2 =	seq.s32 @!p0 s5, $0x0  }
0x1f: {  	s9 =	smul.u32 $0xF7A, s1;
	s8 =	simm.s32 @!p0 $0x1BF5;
	p2 =	por !p2, p0  }
0x20: {  	[sflag:s8] =	ssyncset.s32 @!p0 $0xFFFFF086;
	s6 =	sadd.s32 @!p0 s3, s7;
	s7 =	simm.s32 @!p0 $0x108  }
0x21: {  	s3 =	sadd.s32 s3, s9;
	s6 =	sadd.s32 @!p0 $0x88, s6;
	s7 =	simm.s32 @p2 $0x1082  }
0x22: {  	[simem:s7], [sflag:s8] =	dma.local @!p0 [hbm:s6], $0xF7A  }
0x23: {  	s9 =	sor.u32 $0xD0000000, s2;
	s6 =	simm.s32 $0x108;
	_ =	swait.ge @!p0 [sflag:s8], $0x0  }
0x24: {  	s3 =	sadd.s32 $0x88, s3;
	s6 =	simm.s32 @!p1 $0x1082;
	[sflag:s4] =	ssyncset.s32 $0xFFFFF086  }
0x25: {  	[simem:s6], [sflag:s4] =	dma.local [hbm:s3], $0xF7A  }
0x26: {  	[smem:$0x3F9E] =	sst s1;
	(tag) =	ssettag s2;
	_ =	strace s9  }
0x27: {  	s1 =	sld [smem:$0x3FAE]  }
0x28: {  	s2 =	sld [smem:$0x3FAF]  }
0x29: {  	s4 =	sld [smem:$0x3FB1]  }
0x2a: {  	p0 =	seq.s32 s5, $0x0;
	s5 =	sld [smem:$0x3FB2]  }
0x2b: {  	s6 =	sld [smem:$0x3FB3]  }
0x2c: {  	s7 =	sld [smem:$0x3FB4]  }
0x2d: {  	s3 =	simm.s32 $0x108;
	s8 =	sld [smem:$0x3FB5]  }
0x2e: {  	s3 =	simm.s32 @!p0 $0x1082;
	s9 =	sld [smem:$0x3FB6]  }
0x2f: {  	lr =	sadd.s32 s0, s3;
	s0 =	sld [smem:$0x3FAD]  }
0x30: {  	s3 =	sld [smem:$0x3FB0]  }
0x31: {  	[smem:$0x3FB9] =	sst s10  }
0x32: {  	s10 =	sld [smem:$0x3FB7];
	_ =	sdelay $0x3  }
0x33: {  	p0 =	seq.s32 s10, $0x1;
	s10 =	sld [smem:$0x3FB9];
	_ =	sdelay $0x3  }
0x34: {  	[smem:$0x3FB9] =	sst s10  }
0x35: {  	s10 =	sld [smem:$0x3FB8];
	_ =	sdelay $0x3  }
0x36: {  	p1 =	seq.s32 s10, $0x1;
	s10 =	sld [smem:$0x3FB9];
	_ =	sdelay $0x3  }
0x37: {  	[smem:$0x3FB9] =	sst s10  }
0x38: {  	s10 =	sld [smem:$0x3FBA]  }
0x39: {  	_ = 	snop;
	(pc) =	sbr.ind lr, $3  }
0x3a: {  	_ = 	snop  }
0x3b: {  	_ = 	snop  }
0x3c: {  	p2 =	seq.s32 s10, $0x1;
	s10 =	sld [smem:$0x3FB9]  }
0x3d: {  	_ =	shalt  }
0x3e: {  	_ =	shalt  }
0x3f: {  	_ =	shalt  }
0x40: {  	_ =	shalt  }
0x41: {  	_ =	shalt  }
0x42: {  	_ =	shalt  }
0x43: {  	_ =	shalt  }
0x44: {  	_ =	shalt  }
0x45: {  	_ =	shalt  }
0x46: {  	_ =	shalt  }
0x47: {  	_ =	shalt  }
0x48: {  	_ =	shalt  }
0x49: {  	_ =	shalt  }
0x4a: {  	_ =	shalt  }
0x4b: {  	_ =	shalt  }
0x4c: {  	_ =	shalt  }
0x4d: {  	_ =	shalt  }
0x4e: {  	_ =	shalt  }
0x4f: {  	_ =	shalt  }
0x50: {  	_ =	shalt  }
0x51: {  	_ =	shalt  }
0x52: {  	_ =	shalt  }
0x53: {  	_ =	shalt  }
0x54: {  	_ =	shalt  }
0x55: {  	_ =	shalt  }
0x56: {  	_ =	shalt  }
0x57: {  	_ =	shalt  }
0x58: {  	_ =	shalt  }
0x59: {  	_ =	shalt  }
0x5a: {  	_ =	shalt  }
0x5b: {  	_ =	shalt  }
0x5c: {  	_ =	shalt  }
0x5d: {  	_ =	shalt  }
0x5e: {  	_ =	shalt  }
0x5f: {  	_ =	shalt  }
0x60: {  	_ =	shalt  }
0x61: {  	_ =	shalt  }
0x62: {  	_ =	shalt  }
0x63: {  	_ =	shalt  }
0x64: {  	_ =	shalt  }
0x65: {  	_ =	shalt  }
0x66: {  	_ =	shalt  }
0x67: {  	_ =	shalt  }
0x68: {  	_ =	shalt  }
0x69: {  	_ =	shalt  }
0x6a: {  	_ =	shalt  }
0x6b: {  	_ =	shalt  }
0x6c: {  	_ =	shalt  }
0x6d: {  	_ =	shalt  }
0x6e: {  	_ =	shalt  }
0x6f: {  	_ =	shalt  }
0x70: {  	_ =	shalt  }
0x71: {  	_ =	shalt  }
0x72: {  	_ =	shalt  }
0x73: {  	_ =	shalt  }
0x74: {  	_ =	shalt  }
0x75: {  	_ =	shalt  }
0x76: {  	_ =	shalt  }
0x77: {  	_ =	shalt  }
0x78: {  	_ =	shalt  }
0x79: {  	_ =	shalt  }
0x7a: {  	_ =	shalt  }
0x7b: {  	_ =	shalt  }
0x7c: {  	_ =	shalt  }
0x7d: {  	_ =	shalt  }
0x7e: {  	_ =	shalt  }
0x7f: {  	_ =	shalt  }
0x80: {  	_ =	shalt  }
0x81: {  	_ =	shalt  }
0x82: {  	_ =	shalt  }
0x83: {  	_ =	shalt  }
0x84: {  	_ =	shalt  }
0x85: {  	_ =	shalt  }
0x86: {  	_ =	shalt  }
0x87: {  	_ =	shalt  }
.Lfunc_end0:
.L_simem_size_0:
called_computation.3_lowered:
.L_overlay_start_0:
0x88: {  	s2 =	sld [smem:$0x3FD9]  }
0x89: {  	s3 =	sld [smem:$0x3FFE];
	_ =	sdelay $0x1  }
0x8a: {  	s1 =	srdreg.scid  }
0x8b: {  	s0 =	sand.u32 $0x1, s1  }
0x8c: {  	s16 =	sshll.u32 s0, $0xA;
	s2 =	sadd.s32 s3, s2  }
0x8d: {  	s2 =	sadd.s32 s2, s16  }
0x8e: {  	[smem:$0x3FC5] =	sst s2  }
0x8f: {  	_ = 	snop  }
0x90: {  	(tm) =	ssettm $0x1  }
0x91: {  	s17 =	sld [smem:$0x3FFB];
	_ =	sdelay $0x3  }
0x92: {  	_ =	strace s17  }
0x93: {  	s2 =	sld [smem:$0x3FFC];
	_ =	sdelay $0x3  }
0x94: {  	_ =	strace s2  }
0x95: {  	s2 =	sld [smem:$0x3FFD];
	_ =	sdelay $0x3  }
0x96: {  	_ =	strace s2  }
0x97: {  	_ =	strace $0x8FFFFFFF  }
0x98: {  	s18 =	sld [smem:$0x3FDB];
	_ =	sdelay $0x1  }
0x99: {  	s19 =	simm.s32 $_scs_section_size  }
0x9a: {  	s4 =	simm.s32 $_size__tile_overlayer_lowered;
	s5 =	simm.s32 $_tile_overlayer_lowered  }
0x9b: {  	s22 =	simm.s32 $0x1BFF;
	s21 =	sshll.u32 s5, $0x1;
	s2 =	sadd.s32 s19, s18  }
0x9c: {  	s6 =	simm.s32 $0x0;
	s20 =	sshll.u32 s4, $0x1;
	s4 =	sadd.s32 s21, s2  }
0x9d: {  	[timem:s6], [sflag:s22] =	dma.local [hbm:s4], s20  }
0x9e: {  	_ =	swait.ge [sflag:s22], s20  }
0x9f: {  	s3 =	ssub.s32 $0x0, s20;
	[sflag:s22] =	ssyncset.done $0x0  }
0xa0: {  	[sflag:s22] =	ssyncadd.s32 s3;
	_ =	sdelay $0x1  }
0xa1: {  	s23 =	simm.s32 $0x1B8B  }
0xa2: {  	_ =	swait.ge [sflag:s23], $0x1  }
0xa3: {  	[sflag:s23] =	ssyncset.done $0x0  }
0xa4: {  	s25 =	simm.s32 $0x1B8E;
	s24 =	sld [smem:$0x3FFE];
	[sflag:s23] =	ssyncadd.s32 $0xFFFFFFFF  }
0xa5: {  	s26 =	simm.s32 $execute0_lowered;
	[smem:$0x3FD2] =	sst s25  }
0xa6: {  	s4 =	sshll.u32 s26, $0x1;
	_ =	strace $0x8000004F;
	[dreg:$0x1] =	wrdreg $0xFFFFFFFF  }
0xa7: {  	s28 =	simm.s32 $_size_execute0_lowered;
	s2 =	sadd.s32 s2, s4;
	[dreg:$0x0] =	wrdreg $0x0  }
0xa8: {  	s4 =	sshll.u32 s28, $0x1;
	[dreg:$0x2] =	wrdreg s2  }
0xa9: {  	[dreg:$0x3] =	wrdreg s4  }
0xaa: {  	[dreg:$0x4] =	wrdreg $0xC0  }
0xab: {  	_ =	task [dreg:s6], $0x5FFFF  }
0xac: {  	[dreg:$0x1] =	wrdreg $0xFFFFFFFF  }
0xad: {  	[dreg:$0x0] =	wrdreg $0x60  }
0xae: {  	[dreg:$0x2] =	wrdreg s24  }
0xaf: {  	[dreg:$0x3] =	wrdreg $0x9  }
0xb0: {  	_ =	task.clear_ibuf [dreg:s6], $0x4FFFF;
	_ =	strace $0x9000004F  }
0xb1: {  	s29 =	simm.s32 $0x9;
	_ =	strace $0x80000051  }
0xb2: {  	_ =	swait.ge [sflag:s29], $0x1  }
0xb3: {  	[sflag:s29] =	ssyncadd.s32 $0xFFFFFFFF  }
0xb4: {  	_ =	strace $0x90000051  }
0xb5: {  	_ =	sfence  }
0xb6: {  	s30 =	sld [smem:$0x0];
	_ =	sdelay $0x2  }
0xb7: {  	s31 =	sshll.u32 s1, $0xD;
	s1 =	sshrl.u32 s1, $0x2  }
0xb8: {  	s3 =	sand.u32 $0x4000, s31;
	s1 =	sadd.s32 s1, s30  }
0xb9: {  	s0 =	sor.u32 s3, s0;
	s1 =	sshll.u32 s1, $0x11  }
0xba: {  	s0 =	sor.u32 s1, s0  }
0xbb: {  	s0 =	sadd.s32 $0x8F2B, s0  }
0xbc: {  	[sflag:s0] =	ssyncadd.remote.s32 $0x1  }
0xbd: {  	_ =	sfence.sel $0xFFFF  }
0xbe: {  	[dreg:$0x0] =	wrdreg $0xFFFFFFFF;
	(pc) =	sbr.abs _section_cstart, $3  }
0xbf: {  	[dreg:$0x1] =	wrdreg $0xFFFFFFFF  }
0xc0: {  	_ =	task.clear_ibuf [dreg:s6], $0x2FFFF;
	_ =	strace $0x9FFFFFFF  }
0xc1: {  	(tm) =	ssettm $0x7FFFFFFF  }
tec
execute0_lowered:
.L_overlay_start_1:
0x0: {  	(tag) =	ssettag $0x1  }
0x1: {  	s4 =	rddreg [dreg:$0x0]  }
0x2: {  	s0 =	rddreg [dreg:$0x1];
	s2 =	simm.s32 $0x0;
	s3 =	srdreg.scid  }
0x3: {  	s1 =	stileid.u32;
	s9 =	simm.s32 $0x1;
	s10 =	simm.s32 $0x4000  }
0x4: {  	s11 =	simm.s32 $0x8000;
	s12 =	simm.s32 $0x2;
	s13 =	simm.s32 $0x3  }
0x5: {  	s14 =	simm.s32 $0x0;
	[smem:$0x7FF] =	sst s2;
	s5 =	sand.u32 $0x1, s3  }
0x6: {  	v0 =	vlaneseq.u32;
	s7 =	sshll.u32 s1, $0x1;
	s3 =	sadd.s32 $0xAD9200, s4;
	s6 =	ssub.s32 $0x2, s5  }
0x7: {  	s4 =	sadd.s32 $0x40600, s4;
	v0 =	vmul.u32 $0x603, v0;
	_ =	strace $0x80000050;
	s8 =	sshrl.u32 s6, $0x1  }
0x8: {  	s5 =	sor.u32 s5, s7;
	s7 =	simm.s32 $0x10;
	s6 =	ssub.s32 s6, s8  }
0x9: {  	v1 =	vimm.f32 $0.0e+00;
	s5 =	smul.u32 $0x14, s5;
	v2 =	vadd.s32 $0x1, v0;
	s8 =	simm.s32 $0x2800;
	s6 =	smax.u32 s6, $0x1  }
.LBB2_1:
0xa: {  	s15 =	simm.s32 $0x0  }
.LBB2_2:
0xb: {  	s16 =	simm.s32 $0x8020  }
0xc: {  	[tilespmem:s16+$0xFFFFFFE0] =	vst v1  }
0xd: {  	[tilespmem:s16+$0x10] =	vst v1  }
0xe: {  	s17 =	simm.s32 $0x0;
	[tilespmem:s16+$0x0] =	vst v1  }
.LBB2_3:
0xf: {  	s17 =	sadd.s32 $0x4, s17  }
0x10: {  	[tilespmem:s16+$0xFFFFFFF0] =	vst v1;
	s16 =	sadd.s32 $0x40, s16;
	p0 =	slt.u32 s17, $0x5FC  }
.Ltmp0:
0x11: {  	[tilespmem:s16+$0xFFFFFFE0] =	vst v1;
	(pc) =	sbr.rel @p0 .LBB2_3-.Ltmp0, $3  }
0x12: {  	_ =	sdelay $0x1  }
0x13: {  	[tilespmem:s16+$0x10] =	vst v1  }
0x14: {  	[tilespmem:s16+$0x0] =	vst v1  }
0x15: {  	[tilespmem:s16+$0xFFFFFFF0] =	vst v1;
	s16 =	simm.s32 $0x0  }
.LBB2_5:
0x16: {  	p0 =	sne.s32 s16, $0x80  }
.Ltmp1:
0x17: {  	_ = 	snop;
	(pc) =	sbr.rel @p0 .LBB2_5-.Ltmp1, $3  }
0x18: {  	_ =	sdelay $0x1  }
0x19: {  	s17 =	sshra.s32 s16, $0x2  }
0x1a: {  	s16 =	sadd.s32 $0x40, s16;
	[tilespmem:s17+$0xE000] =	vst v1  }
0x1b: {  	s16 =	sadd.s32 s5, s15  }
0x1c: {  	s17 =	sshll.u32 s16, $0x1  }
0x1d: {  	s19 =	sshll.u32 s16, $0x4;
	s18 =	sadd.s32 s3, s17;
	s17 =	simm.s32 $0x0  }
0x1e: {  	[tilespmem:s17], [sflag:$0x1] =	stream.strided.gather [hbm4b:s18+s7], $0x4000, s8, s7, $0x38;
	[tilespmem:$0xE030] =	vst v63  }
0x1f: {  	s18 =	sadd.s32 $0xA00000, s19;
	s19 =	sadd.s32 $0x1400000, s19  }
.LBB2_7:
0x20: {  	s20 =	smul.u32 $0x1400000, s17;
	_ =	sdelay $0x1  }
0x21: {  	_ =	swait.ge [sflag:s9], $0x4000;
	s21 =	sadd.s32 s18, s20  }
0x22: {  	[sflag:s9] =	ssyncset.done $0x0;
	s21 =	sshrl.u32 s21, $0x3  }
0x23: {  	s31 =	simm.s32 $0x80;
	[sflag:s9] =	ssyncadd.s32 $0xFFFFC000;
	s21 =	sadd.s32 s3, s21  }
0x24: {  	[tilespmem:s10], [sflag:$0x2] =	stream.strided.gather [hbm4b:s21+s7], $0x4000, s8, s7, $0x38;
	[tilespmem:$0xE030] =	vst v63  }
0x25: {  	v4 =	vld [tilespmem:s31+$0xFFFFFF80]  }
0x26: {  	v7 =	vld [tilespmem:s31+$0x70]  }
0x27: {  	v8 =	vld [tilespmem:s31+$0x60]  }
0x28: {  	v13 =	vld [tilespmem:s31+$0x40]  }
0x29: {  	v15 =	vld [tilespmem:s31+$0x20];
	_ =	sdelay $0x2  }
0x2a: {  	v3 =	vtrunc.f32 v4;
	v9 =	vtrunc.f32 v7  }
0x2b: {  	v12 =	vtrunc.f32 v8;
	v18 =	vtrunc.f32 v13  }
0x2c: {  	v11 =	vld [tilespmem:s31+$0x50];
	v24 =	vtrunc.f32 v15;
	v5 =	vcvt.f32.s32 v3  }
0x2d: {  	v26 =	vld [tilespmem:s31+$0xFFFFFFC0];
	v9 =	vcvt.f32.s32 v9;
	v12 =	vcvt.f32.s32 v12  }
0x2e: {  	v14 =	vld [tilespmem:s31+$0x10];
	v18 =	vcvt.f32.s32 v18;
	v6 =	vcvt.s32.f32 v5  }
0x2f: {  	v3 =	vld [tilespmem:s31+$0x30];
	v10 =	vadd.s32 v2, v5;
	v17 =	vadd.s32 v0, v5;
	v20 =	vadd.s32 v0, v9  }
0x30: {  	v22 =	vadd.s32 v2, v12;
	v25 =	vadd.s32 v0, v12;
	v12 =	vcvt.s32.f32 v12  }
0x31: {  	v23 =	vadd.s32 v2, v9;
	v16 =	vsub.f32 v4, v6;
	v4 =	vtrunc.f32 v11  }
0x32: {  	v5 =	vld [tilespmem:s31+$0xFFFFFFE0];
	v35 =	vsub.f32 v8, v12;
	v8 =	vtrunc.f32 v26;
	v19 =	vcvt.f32.s32 v4  }
0x33: {  	v31 =	vld [tilespmem:s31+$0xFFFFFFA0];
	v36 =	vadd.s32 v0, v18;
	v4 =	vcvt.s32.f32 v9;
	v9 =	vtrunc.f32 v14  }
0x34: {  	v6 =	vld [tilespmem:s31+$0xFFFFFFF0];
	v21 =	vtrunc.f32 v3;
	v27 =	vsub.f32 $1.000000000e+00, v16;
	v29 =	vcvt.f32.s32 v9  }
0x35: {  	v12 =	vcvt.f32.s32 v24;
	v9 =	vcvt.f32.s32 v21;
	v7 =	vsub.f32 v7, v4;
	v4 =	vld [tilespmem:s31+$0xFFFFFF90]  }
0x36: {  	v24 =	vsub.f32 $1.000000000e+00, v35;
	v30 =	vadd.s32 v2, v19;
	v34 =	vcvt.s32.f32 v29;
	[tilespmem:v17+s11+$0x0] =	vst.idx.add.f32.msk $0xffff, v27  }
0x37: {  	v33 =	vadd.s32 v0, v19;
	v27 =	vtrunc.f32 v5;
	[tilespmem:v10+s11+$0x0] =	vst.idx.add.f32.msk $0xffff, v16;
	v16 =	vcvt.s32.f32 v19  }
0x38: {  	v28 =	vld [tilespmem:s31+$0x0];
	v21 =	vsub.f32 $1.000000000e+00, v7;
	v19 =	vcvt.f32.s32 v8;
	v8 =	vtrunc.f32 v31  }
0x39: {  	[tilespmem:v25+s11+$0x0] =	vst.idx.add.f32.msk $0xffff, v24;
	v32 =	vtrunc.f32 v6;
	v10 =	vadd.s32 v0, v29;
	v17 =	vcvt.f32.s32 v8  }
0x3a: {  	v32 =	vcvt.f32.s32 v32;
	[tilespmem:v20+s11+$0x0] =	vst.idx.add.f32.msk $0xffff, v21;
	v16 =	vsub.f32 v11, v16;
	v11 =	vcvt.s32.f32 v18  }
0x3b: {  	v25 =	vadd.s32 v2, v19;
	[tilespmem:v23+s11+$0x0] =	vst.idx.add.f32.msk $0xffff, v7;
	v7 =	vcvt.s32.f32 v19;
	v23 =	vadd.s32 v2, v18  }
0x3c: {  	v21 =	vld [tilespmem:s31+$0xFFFFFFD0];
	v37 =	vtrunc.f32 v4;
	v18 =	vadd.s32 v0, v19;
	v20 =	vsub.f32 $1.000000000e+00, v16  }
0x3d: {  	[tilespmem:v22+s11+$0x0] =	vst.idx.add.f32.msk $0xffff, v35;
	v24 =	vcvt.s32.f32 v17;
	v63 =	vadd.s32 v0, v17;
	v13 =	vsub.f32 v13, v11  }
0x3e: {  	v11 =	vsub.f32 v14, v34;
	v14 =	vcvt.f32.s32 v27;
	[tilespmem:v33+s11+$0x0] =	vst.idx.add.f32.msk $0xffff, v20;
	v20 =	vsub.f32 v26, v7  }
0x3f: {  	v19 =	vcvt.s32.f32 v12;
	v26 =	vsub.f32 $1.000000000e+00, v13;
	v7 =	vsub.f32 v31, v24;
	v24 =	vld [tilespmem:s31+$0xFFFFFFB0]  }
0x40: {  	v8 =	vadd.s32 v2, v29;
	v22 =	vcvt.f32.s32 v37;
	v31 =	vcvt.s32.f32 v14;
	[tilespmem:v30+s11+$0x0] =	vst.idx.add.f32.msk $0xffff, v16  }
0x41: {  	v16 =	vtrunc.f32 v28;
	v27 =	vtrunc.f32 v21;
	[tilespmem:v36+s11+$0x0] =	vst.idx.add.f32.msk $0xffff, v26;
	v26 =	vsub.f32 $1.000000000e+00, v7  }
0x42: {  	v29 =	vsub.f32 $1.000000000e+00, v20;
	v33 =	vcvt.f32.s32 v16;
	v30 =	vcvt.f32.s32 v27;
	[tilespmem:v23+s11+$0x0] =	vst.idx.add.f32.msk $0xffff, v13  }
0x43: {  	s22 =	simm.s32 $0x180;
	s21 =	simm.s32 $0x0;
	v27 =	vsub.f32 $1.000000000e+00, v11;
	v23 =	vadd.s32 v2, v32;
	[tilespmem:v63+s11+$0x0] =	vst.idx.add.f32.msk $0xffff, v26;
	v26 =	vsub.f32 v15, v19  }
.LBB2_8:
0x44: {  	v19 =	vld [tilespmem:s22+$0x60];
	s21 =	sadd.s32 $0x10, s21;
	v15 =	vtrunc.f32 v24;
	v34 =	vcvt.s32.f32 v33;
	v35 =	vadd.s32 v0, v33  }
0x45: {  	v38 =	vcvt.s32.f32 v32;
	v32 =	vadd.s32 v0, v32;
	v36 =	vld [tilespmem:s22+$0xFFFFFF90];
	p0 =	slt.u32 s21, $0x3F0;
	v37 =	vcvt.s32.f32 v22  }
0x46: {  	v39 =	vcvt.s32.f32 v30;
	v40 =	vadd.s32 v0, v30;
	v41 =	vsub.f32 $1.000000000e+00, v26;
	v13 =	vld [tilespmem:s22+$0xFFFFFFA0]  }
0x47: {  	v42 =	vcvt.f32.s32 v15;
	v28 =	vsub.f32 v28, v34;
	v16 =	vld [tilespmem:s22+$0xFFFFFFC0];
	v37 =	vsub.f32 v4, v37  }
0x48: {  	v44 =	vadd.s32 v0, v12;
	v43 =	vadd.s32 v0, v22;
	v38 =	vsub.f32 v6, v38;
	v34 =	vld [tilespmem:s22+$0xFFFFFF80]  }
0x49: {  	v33 =	vadd.s32 v2, v33;
	v46 =	vadd.s32 v2, v22;
	v47 =	vcvt.s32.f32 v42;
	v45 =	vld [tilespmem:s22+$0xFFFFFFE0]  }
0x4a: {  	v17 =	vadd.s32 v2, v17;
	v31 =	vsub.f32 v5, v31;
	v21 =	vsub.f32 v21, v39;
	v6 =	vld [tilespmem:s22+$0xFFFFFFF0];
	v4 =	vmovc v36  }
0x4b: {  	v30 =	vadd.s32 v2, v30;
	v39 =	vcvt.s32.f32 v9;
	v36 =	vsub.f32 $1.000000000e+00, v37;
	v22 =	vld [tilespmem:s22+$0x10]  }
0x4c: {  	v24 =	vsub.f32 v24, v47;
	v47 =	vsub.f32 $1.000000000e+00, v38;
	v15 =	vld [tilespmem:s22+$0x20]  }
0x4d: {  	v49 =	vadd.s32 v0, v42;
	v50 =	vsub.f32 $1.000000000e+00, v21;
	v51 =	vsub.f32 $1.000000000e+00, v28;
	v48 =	vld [tilespmem:s22+$0x30]  }
0x4e: {  	v52 =	vtrunc.f32 v34;
	v53 =	vld [tilespmem:s22+$0x40];
	v5 =	vmov v45  }
0x4f: {  	v45 =	vcvt.f32.s32 v52;
	[tilespmem:v44+s11+$0x0] =	vst.idx.add.f32.msk $0xffff, v41  }
0x50: {  	v42 =	vadd.s32 v2, v42;
	v41 =	vsub.f32 $1.000000000e+00, v24;
	[tilespmem:v18+s11+$0x0] =	vst.idx.add.f32.msk $0xffff, v29;
	v18 =	vadd.s32 v0, v9  }
0x51: {  	v39 =	vsub.f32 v3, v39;
	v29 =	vcvt.s32.f32 v45;
	v44 =	vld [tilespmem:s22+$0x50]  }
0x52: {  	v9 =	vadd.s32 v2, v9;
	v52 =	vld [tilespmem:s22+$0x70];
	v3 =	vmov v48  }
0x53: {  	[tilespmem:v25+s11+$0x0] =	vst.idx.add.f32.msk $0xffff, v20;
	v20 =	vsub.f32 $1.000000000e+00, v39  }
0x54: {  	v12 =	vadd.s32 v2, v12;
	[tilespmem:v35+s11+$0x0] =	vst.idx.add.f32.msk $0xffff, v51  }
0x55: {  	[tilespmem:v18+s11+$0x0] =	vst.idx.add.f32.msk $0xffff, v20  }
0x56: {  	[tilespmem:v32+s11+$0x0] =	vst.idx.add.f32.msk $0xffff, v47  }
0x57: {  	[tilespmem:v9+s11+$0x0] =	vst.idx.add.f32.msk $0xffff, v39  }
0x58: {  	[tilespmem:v10+s11+$0x0] =	vst.idx.add.f32.msk $0xffff, v27  }
0x59: {  	v9 =	vadd.s32 v0, v14;
	[tilespmem:v23+s11+$0x0] =	vst.idx.add.f32.msk $0xffff, v38  }
0x5a: {  	[tilespmem:v12+s11+$0x0] =	vst.idx.add.f32.msk $0xffff, v26  }
0x5b: {  	v10 =	vadd.s32 v2, v14;
	[tilespmem:v40+s11+$0x0] =	vst.idx.add.f32.msk $0xffff, v50  }
0x5c: {  	v18 =	vsub.f32 $1.000000000e+00, v31;
	v14 =	vtrunc.f32 v52;
	v12 =	vadd.s32 v2, v45;
	[tilespmem:v33+s11+$0x0] =	vst.idx.add.f32.msk $0xffff, v28  }
0x5d: {  	v20 =	vsub.f32 v34, v29;
	v23 =	vtrunc.f32 v19;
	v14 =	vcvt.f32.s32 v14;
	[tilespmem:v8+s11+$0x0] =	vst.idx.add.f32.msk $0xffff, v11  }
0x5e: {  	v23 =	vcvt.f32.s32 v23;
	v8 =	vadd.s32 v0, v45;
	v11 =	vtrunc.f32 v44;
	[tilespmem:v9+s11+$0x0] =	vst.idx.add.f32.msk $0xffff, v18  }
0x5f: {  	v9 =	vtrunc.f32 v53;
	v11 =	vcvt.f32.s32 v11;
	v18 =	vadd.s32 v0, v14;
	[tilespmem:v30+s11+$0x0] =	vst.idx.add.f32.msk $0xffff, v21  }
0x60: {  	v25 =	vadd.s32 v2, v14;
	v26 =	vadd.s32 v2, v23;
	v21 =	vtrunc.f32 v3;
	[tilespmem:v10+s11+$0x0] =	vst.idx.add.f32.msk $0xffff, v31  }
0x61: {  	v27 =	vadd.s32 v0, v23;
	v14 =	vcvt.s32.f32 v14;
	v10 =	vtrunc.f32 v15;
	[tilespmem:v49+s11+$0x0] =	vst.idx.add.f32.msk $0xffff, v41  }
0x62: {  	v29 =	vtrunc.f32 v22;
	v28 =	vsub.f32 $1.000000000e+00, v20;
	v30 =	vcvt.f32.s32 v9;
	[tilespmem:v17+s11+$0x0] =	vst.idx.add.f32.msk $0xffff, v7  }
0x63: {  	v14 =	vsub.f32 v52, v14;
	v7 =	vcvt.f32.s32 v29;
	v29 =	vadd.s32 v2, v11;
	[tilespmem:v42+s11+$0x0] =	vst.idx.add.f32.msk $0xffff, v24  }
0x64: {  	v31 =	vadd.s32 v0, v11;
	v17 =	vcvt.s32.f32 v23;
	v24 =	vtrunc.f32 v6;
	[tilespmem:v43+s11+$0x0] =	vst.idx.add.f32.msk $0xffff, v36  }
0x65: {  	v9 =	vcvt.f32.s32 v21;
	v21 =	vsub.f32 $1.000000000e+00, v14;
	v23 =	vcvt.s32.f32 v7;
	[tilespmem:v46+s11+$0x0] =	vst.idx.add.f32.msk $0xffff, v37  }
0x66: {  	v33 =	vtrunc.f32 v5;
	v34 =	vadd.s32 v0, v30;
	v19 =	vsub.f32 v19, v17;
	[tilespmem:v8+s11+$0x0] =	vst.idx.add.f32.msk $0xffff, v28  }
0x67: {  	v11 =	vcvt.s32.f32 v11;
	v8 =	vtrunc.f32 v16;
	[tilespmem:v12+s11+$0x0] =	vst.idx.add.f32.msk $0xffff, v20  }
0x68: {  	v35 =	vcvt.f32.s32 v8;
	v12 =	vcvt.f32.s32 v10;
	v20 =	vsub.f32 $1.000000000e+00, v19;
	[tilespmem:v18+s11+$0x0] =	vst.idx.add.f32.msk $0xffff, v21  }
0x69: {  	v36 =	vsub.f32 v44, v11;
	v8 =	vtrunc.f32 v13;
	v10 =	vadd.s32 v0, v7;
	[tilespmem:v25+s11+$0x0] =	vst.idx.add.f32.msk $0xffff, v14  }
0x6a: {  	v11 =	vcvt.s32.f32 v30;
	v30 =	vadd.s32 v2, v30;
	v14 =	vcvt.s32.f32 v35;
	v28 =	vld [tilespmem:s22+$0x0]  }
0x6b: {  	v17 =	vcvt.f32.s32 v8;
	v8 =	vadd.s32 v2, v7;
	v7 =	vsub.f32 $1.000000000e+00, v36;
	v21 =	vld [tilespmem:s22+$0xFFFFFFD0]  }
0x6c: {  	v37 =	vtrunc.f32 v4;
	v38 =	vsub.f32 v53, v11;
	v18 =	vadd.s32 v0, v35;
	[tilespmem:v27+s11+$0x0] =	vst.idx.add.f32.msk $0xffff, v20  }
0x6d: {  	v32 =	vcvt.f32.s32 v24;
	v11 =	vsub.f32 v22, v23;
	v25 =	vcvt.s32.f32 v17;
	[tilespmem:v31+s11+$0x0] =	vst.idx.add.f32.msk $0xffff, v7  }
0x6e: {  	v27 =	vadd.s32 v0, v17;
	v20 =	vsub.f32 v16, v14;
	v16 =	vsub.f32 $1.000000000e+00, v38;
	[tilespmem:v29+s11+$0x0] =	vst.idx.add.f32.msk $0xffff, v36  }
.Ltmp2:
0x6f: {  	v7 =	vsub.f32 v13, v25;
	v25 =	vadd.s32 v2, v35;
	v24 =	vld [tilespmem:s22+$0xFFFFFFB0];
	v13 =	vtrunc.f32 v28;
	(pc) =	sbr.rel @p0 .LBB2_8-.Ltmp2, $4  }
0x70: {  	v14 =	vcvt.f32.s32 v33;
	v35 =	vcvt.s32.f32 v12;
	v29 =	vsub.f32 $1.000000000e+00, v20;
	[tilespmem:v34+s11+$0x0] =	vst.idx.add.f32.msk $0xffff, v16  }
0x71: {  	v16 =	vsub.f32 $1.000000000e+00, v7;
	v22 =	vtrunc.f32 v21;
	v33 =	vcvt.f32.s32 v13;
	[tilespmem:v30+s11+$0x0] =	vst.idx.add.f32.msk $0xffff, v38  }
0x72: {  	v23 =	vadd.s32 v2, v32;
	v31 =	vcvt.s32.f32 v14;
	v30 =	vcvt.f32.s32 v22;
	[tilespmem:v26+s11+$0x0] =	vst.idx.add.f32.msk $0xffff, v19  }
0x73: {  	s22 =	sadd.s32 $0x100, s22;
	v22 =	vcvt.f32.s32 v37;
	v26 =	vsub.f32 v15, v35;
	[tilespmem:v27+s11+$0x0] =	vst.idx.add.f32.msk $0xffff, v16;
	v27 =	vsub.f32 $1.000000000e+00, v11  }
0x74: {  	_ = 	snop  }
0x75: {  	v13 =	vadd.s32 v0, v12  }
0x76: {  	v15 =	vcvt.s32.f32 v33  }
0x77: {  	v16 =	vadd.s32 v0, v33;
	v34 =	vcvt.s32.f32 v9;
	v35 =	vcvt.s32.f32 v32  }
0x78: {  	[tilespmem:v18+s11+$0x0] =	vst.idx.add.f32.msk $0xffff, v29;
	v19 =	vsub.f32 $1.000000000e+00, v26;
	v15 =	vsub.f32 v28, v15;
	v28 =	vadd.s32 v0, v9  }
0x79: {  	v58 =	vadd.s32 v0, v32;
	[tilespmem:v25+s11+$0x0] =	vst.idx.add.f32.msk $0xffff, v20;
	v3 =	vsub.f32 v3, v34  }
0x7a: {  	v6 =	vsub.f32 v6, v35;
	v9 =	vadd.s32 v2, v9;
	[tilespmem:v13+s11+$0x0] =	vst.idx.add.f32.msk $0xffff, v19;
	v13 =	vsub.f32 $1.000000000e+00, v15  }
0x7b: {  	[tilespmem:v10+s11+$0x0] =	vst.idx.add.f32.msk $0xffff, v27;
	v18 =	vsub.f32 $1.000000000e+00, v3  }
0x7c: {  	v12 =	vadd.s32 v2, v12;
	v19 =	vsub.f32 $1.000000000e+00, v6;
	[tilespmem:v16+s11+$0x0] =	vst.idx.add.f32.msk $0xffff, v13  }
0x7d: {  	v13 =	vcvt.s32.f32 v30;
	[tilespmem:v28+s11+$0x0] =	vst.idx.add.f32.msk $0xffff, v18;
	v18 =	vadd.s32 v2, v33  }
0x7e: {  	v16 =	vadd.s32 v0, v30;
	[tilespmem:v58+s11+$0x0] =	vst.idx.add.f32.msk $0xffff, v19  }
0x7f: {  	[tilespmem:v9+s11+$0x0] =	vst.idx.add.f32.msk $0xffff, v3;
	v13 =	vsub.f32 v21, v13  }
0x80: {  	v3 =	vtrunc.f32 v24;
	[tilespmem:v23+s11+$0x0] =	vst.idx.add.f32.msk $0xffff, v6;
	v6 =	vadd.s32 v2, v30  }
0x81: {  	v10 =	vadd.s32 v0, v14;
	[tilespmem:v12+s11+$0x0] =	vst.idx.add.f32.msk $0xffff, v26;
	v3 =	vcvt.f32.s32 v3;
	v9 =	vsub.f32 $1.000000000e+00, v13  }
0x82: {  	v5 =	vsub.f32 v5, v31;
	[tilespmem:v18+s11+$0x0] =	vst.idx.add.f32.msk $0xffff, v15;
	v15 =	vadd.s32 v2, v17  }
0x83: {  	v12 =	vcvt.s32.f32 v3;
	[tilespmem:v16+s11+$0x0] =	vst.idx.add.f32.msk $0xffff, v9;
	v9 =	vadd.s32 v2, v14  }
0x84: {  	[tilespmem:v8+s11+$0x0] =	vst.idx.add.f32.msk $0xffff, v11;
	v14 =	vadd.s32 v0, v3;
	v16 =	vsub.f32 $1.000000000e+00, v5  }
0x85: {  	v8 =	vcvt.s32.f32 v22;
	v12 =	vsub.f32 v24, v12;
	v3 =	vadd.s32 v2, v3;
	[tilespmem:v6+s11+$0x0] =	vst.idx.add.f32.msk $0xffff, v13  }
0x86: {  	[tilespmem:v10+s11+$0x0] =	vst.idx.add.f32.msk $0xffff, v16;
	v10 =	vadd.s32 v0, v22  }
0x87: {  	v4 =	vsub.f32 v4, v8;
	v6 =	vadd.s32 v2, v22;
	v11 =	vsub.f32 $1.000000000e+00, v12;
	[tilespmem:v15+s11+$0x0] =	vst.idx.add.f32.msk $0xffff, v7  }
0x88: {  	[tilespmem:v9+s11+$0x0] =	vst.idx.add.f32.msk $0xffff, v5  }
0x89: {  	[tilespmem:v14+s11+$0x0] =	vst.idx.add.f32.msk $0xffff, v11;
	v5 =	vsub.f32 $1.000000000e+00, v4  }
0x8a: {  	[tilespmem:v3+s11+$0x0] =	vst.idx.add.f32.msk $0xffff, v12  }
0x8b: {  	[tilespmem:v10+s11+$0x0] =	vst.idx.add.f32.msk $0xffff, v5  }
0x8c: {  	p0 =	seq.s32 s17, $0x3;
	s31 =	simm.s32 $0x4080;
	[tilespmem:v6+s11+$0x0] =	vst.idx.add.f32.msk $0xffff, v4  }
0x8d: {  	s20 =	sadd.s32 @!p0 s19, s20;
	s21 =	simm.s32 @!p0 $0x10;
	_ =	swait.ge [sflag:s12], $0x4000  }
0x8e: {  	s22 =	simm.s32 @!p0 $0x2800;
	s20 =	sshrl.u32 @!p0 s20, $0x3;
	[sflag:s12] =	ssyncset.done $0x0  }
0x8f: {  	s23 =	simm.s32 @!p0 $0x0;
	s20 =	sadd.s32 @!p0 s3, s20;
	[sflag:s12] =	ssyncadd.s32 $0xFFFFC000  }
0x90: {  	[tilespmem:s23], [sflag:$0x1] =	stream.strided.gather @!p0 [hbm4b:s20+s21], $0x4000, s22, s21, $0x38;
	[tilespmem:$0xE030] =	vst v63  }
0x91: {  	v4 =	vld [tilespmem:s31+$0xFFFFFF80]  }
0x92: {  	v7 =	vld [tilespmem:s31+$0x70]  }
0x93: {  	v8 =	vld [tilespmem:s31+$0x60]  }
0x94: {  	v13 =	vld [tilespmem:s31+$0x40]  }
0x95: {  	v15 =	vld [tilespmem:s31+$0x20];
	_ =	sdelay $0x2  }
0x96: {  	v3 =	vtrunc.f32 v4;
	v9 =	vtrunc.f32 v7  }
0x97: {  	v12 =	vtrunc.f32 v8;
	v18 =	vtrunc.f32 v13  }
0x98: {  	v11 =	vld [tilespmem:s31+$0x50];
	v24 =	vtrunc.f32 v15;
	v5 =	vcvt.f32.s32 v3  }
0x99: {  	v26 =	vld [tilespmem:s31+$0xFFFFFFC0];
	v9 =	vcvt.f32.s32 v9;
	v12 =	vcvt.f32.s32 v12  }
0x9a: {  	v14 =	vld [tilespmem:s31+$0x10];
	v18 =	vcvt.f32.s32 v18;
	v6 =	vcvt.s32.f32 v5  }
0x9b: {  	v3 =	vld [tilespmem:s31+$0x30];
	v10 =	vadd.s32 v2, v5;
	v17 =	vadd.s32 v0, v5;
	v20 =	vadd.s32 v0, v9  }
0x9c: {  	v22 =	vadd.s32 v2, v12;
	v25 =	vadd.s32 v0, v12;
	v12 =	vcvt.s32.f32 v12  }
0x9d: {  	v23 =	vadd.s32 v2, v9;
	v16 =	vsub.f32 v4, v6;
	v4 =	vtrunc.f32 v11  }
0x9e: {  	v5 =	vld [tilespmem:s31+$0xFFFFFFE0];
	v62 =	vsub.f32 v8, v12;
	v8 =	vtrunc.f32 v26;
	v19 =	vcvt.f32.s32 v4  }
0x9f: {  	v31 =	vld [tilespmem:s31+$0xFFFFFFA0];
	v36 =	vadd.s32 v0, v18;
	v4 =	vcvt.s32.f32 v9;
	v9 =	vtrunc.f32 v14  }
0xa0: {  	v6 =	vld [tilespmem:s31+$0xFFFFFFF0];
	v21 =	vtrunc.f32 v3;
	v27 =	vsub.f32 $1.000000000e+00, v16;
	v29 =	vcvt.f32.s32 v9  }
0xa1: {  	v12 =	vcvt.f32.s32 v24;
	v9 =	vcvt.f32.s32 v21;
	v7 =	vsub.f32 v7, v4;
	v4 =	vld [tilespmem:s31+$0xFFFFFF90]  }
0xa2: {  	v24 =	vsub.f32 $1.000000000e+00, v62;
	v30 =	vadd.s32 v2, v19;
	v61 =	vcvt.s32.f32 v29;
	[tilespmem:v17+s11+$0x0] =	vst.idx.add.f32.msk $0xffff, v27  }
0xa3: {  	v60 =	vadd.s32 v0, v19;
	v27 =	vtrunc.f32 v5;
	[tilespmem:v10+s11+$0x0] =	vst.idx.add.f32.msk $0xffff, v16;
	v16 =	vcvt.s32.f32 v19  }
0xa4: {  	v28 =	vld [tilespmem:s31+$0x0];
	v21 =	vsub.f32 $1.000000000e+00, v7;
	v19 =	vcvt.f32.s32 v8;
	v8 =	vtrunc.f32 v31  }
0xa5: {  	[tilespmem:v25+s11+$0x0] =	vst.idx.add.f32.msk $0xffff, v24;
	v59 =	vtrunc.f32 v6;
	v10 =	vadd.s32 v0, v29;
	v17 =	vcvt.f32.s32 v8  }
0xa6: {  	v32 =	vcvt.f32.s32 v59;
	[tilespmem:v20+s11+$0x0] =	vst.idx.add.f32.msk $0xffff, v21;
	v16 =	vsub.f32 v11, v16;
	v11 =	vcvt.s32.f32 v18  }
0xa7: {  	v25 =	vadd.s32 v2, v19;
	[tilespmem:v23+s11+$0x0] =	vst.idx.add.f32.msk $0xffff, v7;
	v7 =	vcvt.s32.f32 v19;
	v23 =	vadd.s32 v2, v18  }
0xa8: {  	v21 =	vld [tilespmem:s31+$0xFFFFFFD0];
	v37 =	vtrunc.f32 v4;
	v18 =	vadd.s32 v0, v19;
	v20 =	vsub.f32 $1.000000000e+00, v16  }
0xa9: {  	[tilespmem:v22+s11+$0x0] =	vst.idx.add.f32.msk $0xffff, v62;
	v24 =	vcvt.s32.f32 v17;
	v63 =	vadd.s32 v0, v17;
	v13 =	vsub.f32 v13, v11  }
0xaa: {  	v11 =	vsub.f32 v14, v61;
	v14 =	vcvt.f32.s32 v27;
	[tilespmem:v60+s11+$0x0] =	vst.idx.add.f32.msk $0xffff, v20;
	v20 =	vsub.f32 v26, v7  }
0xab: {  	v19 =	vcvt.s32.f32 v12;
	v26 =	vsub.f32 $1.000000000e+00, v13;
	v7 =	vsub.f32 v31, v24;
	v24 =	vld [tilespmem:s31+$0xFFFFFFB0]  }
0xac: {  	v8 =	vadd.s32 v2, v29;
	v22 =	vcvt.f32.s32 v37;
	v31 =	vcvt.s32.f32 v14;
	[tilespmem:v30+s11+$0x0] =	vst.idx.add.f32.msk $0xffff, v16  }
0xad: {  	v16 =	vtrunc.f32 v28;
	v27 =	vtrunc.f32 v21;
	[tilespmem:v36+s11+$0x0] =	vst.idx.add.f32.msk $0xffff, v26;
	v26 =	vsub.f32 $1.000000000e+00, v7  }
0xae: {  	v29 =	vsub.f32 $1.000000000e+00, v20;
	v33 =	vcvt.f32.s32 v16;
	v30 =	vcvt.f32.s32 v27;
	[tilespmem:v23+s11+$0x0] =	vst.idx.add.f32.msk $0xffff, v13  }
0xaf: {  	s20 =	simm.s32 $0x0;
	s21 =	simm.s32 $0x4180;
	v27 =	vsub.f32 $1.000000000e+00, v11;
	v23 =	vadd.s32 v2, v32;
	[tilespmem:v63+s11+$0x0] =	vst.idx.add.f32.msk $0xffff, v26;
	v26 =	vsub.f32 v15, v19  }
.LBB2_10:
0xb0: {  	v19 =	vld [tilespmem:s21+$0x60];
	s20 =	sadd.s32 $0x10, s20;
	v15 =	vtrunc.f32 v24;
	v34 =	vcvt.s32.f32 v33;
	v35 =	vadd.s32 v0, v33  }
0xb1: {  	v38 =	vcvt.s32.f32 v32;
	v32 =	vadd.s32 v0, v32;
	v36 =	vld [tilespmem:s21+$0xFFFFFF90];
	p0 =	slt.u32 s20, $0x3F0;
	v37 =	vcvt.s32.f32 v22  }
0xb2: {  	v39 =	vcvt.s32.f32 v30;
	v40 =	vadd.s32 v0, v30;
	v41 =	vsub.f32 $1.000000000e+00, v26;
	v13 =	vld [tilespmem:s21+$0xFFFFFFA0]  }
0xb3: {  	v42 =	vcvt.f32.s32 v15;
	v28 =	vsub.f32 v28, v34;
	v16 =	vld [tilespmem:s21+$0xFFFFFFC0];
	v37 =	vsub.f32 v4, v37  }
0xb4: {  	v44 =	vadd.s32 v0, v12;
	v43 =	vadd.s32 v0, v22;
	v38 =	vsub.f32 v6, v38;
	v34 =	vld [tilespmem:s21+$0xFFFFFF80]  }
0xb5: {  	v33 =	vadd.s32 v2, v33;
	v46 =	vadd.s32 v2, v22;
	v47 =	vcvt.s32.f32 v42;
	v45 =	vld [tilespmem:s21+$0xFFFFFFE0]  }
0xb6: {  	v17 =	vadd.s32 v2, v17;
	v31 =	vsub.f32 v5, v31;
	v21 =	vsub.f32 v21, v39;
	v6 =	vld [tilespmem:s21+$0xFFFFFFF0];
	v4 =	vmovc v36  }
0xb7: {  	v30 =	vadd.s32 v2, v30;
	v39 =	vcvt.s32.f32 v9;
	v36 =	vsub.f32 $1.000000000e+00, v37;
	v22 =	vld [tilespmem:s21+$0x10]  }
0xb8: {  	v24 =	vsub.f32 v24, v47;
	v47 =	vsub.f32 $1.000000000e+00, v38;
	v15 =	vld [tilespmem:s21+$0x20]  }
0xb9: {  	v49 =	vadd.s32 v0, v42;
	v50 =	vsub.f32 $1.000000000e+00, v21;
	v51 =	vsub.f32 $1.000000000e+00, v28;
	v48 =	vld [tilespmem:s21+$0x30]  }
0xba: {  	v52 =	vtrunc.f32 v34;
	v53 =	vld [tilespmem:s21+$0x40];
	v5 =	vmov v45  }
0xbb: {  	v45 =	vcvt.f32.s32 v52;
	[tilespmem:v44+s11+$0x0] =	vst.idx.add.f32.msk $0xffff, v41  }
0xbc: {  	v42 =	vadd.s32 v2, v42;
	v41 =	vsub.f32 $1.000000000e+00, v24;
	[tilespmem:v18+s11+$0x0] =	vst.idx.add.f32.msk $0xffff, v29;
	v18 =	vadd.s32 v0, v9  }
0xbd: {  	v39 =	vsub.f32 v3, v39;
	v29 =	vcvt.s32.f32 v45;
	v44 =	vld [tilespmem:s21+$0x50]  }
0xbe: {  	v9 =	vadd.s32 v2, v9;
	v52 =	vld [tilespmem:s21+$0x70];
	v3 =	vmov v48  }
0xbf: {  	[tilespmem:v25+s11+$0x0] =	vst.idx.add.f32.msk $0xffff, v20;
	v20 =	vsub.f32 $1.000000000e+00, v39  }
0xc0: {  	v12 =	vadd.s32 v2, v12;
	[tilespmem:v35+s11+$0x0] =	vst.idx.add.f32.msk $0xffff, v51  }
0xc1: {  	[tilespmem:v18+s11+$0x0] =	vst.idx.add.f32.msk $0xffff, v20  }
0xc2: {  	[tilespmem:v32+s11+$0x0] =	vst.idx.add.f32.msk $0xffff, v47  }
0xc3: {  	[tilespmem:v9+s11+$0x0] =	vst.idx.add.f32.msk $0xffff, v39  }
0xc4: {  	[tilespmem:v10+s11+$0x0] =	vst.idx.add.f32.msk $0xffff, v27  }
0xc5: {  	v9 =	vadd.s32 v0, v14;
	[tilespmem:v23+s11+$0x0] =	vst.idx.add.f32.msk $0xffff, v38  }
0xc6: {  	[tilespmem:v12+s11+$0x0] =	vst.idx.add.f32.msk $0xffff, v26  }
0xc7: {  	v10 =	vadd.s32 v2, v14;
	[tilespmem:v40+s11+$0x0] =	vst.idx.add.f32.msk $0xffff, v50  }
0xc8: {  	v18 =	vsub.f32 $1.000000000e+00, v31;
	v14 =	vtrunc.f32 v52;
	v12 =	vadd.s32 v2, v45;
	[tilespmem:v33+s11+$0x0] =	vst.idx.add.f32.msk $0xffff, v28  }
0xc9: {  	v20 =	vsub.f32 v34, v29;
	v23 =	vtrunc.f32 v19;
	v14 =	vcvt.f32.s32 v14;
	[tilespmem:v8+s11+$0x0] =	vst.idx.add.f32.msk $0xffff, v11  }
0xca: {  	v23 =	vcvt.f32.s32 v23;
	v8 =	vadd.s32 v0, v45;
	v11 =	vtrunc.f32 v44;
	[tilespmem:v9+s11+$0x0] =	vst.idx.add.f32.msk $0xffff, v18  }
0xcb: {  	v9 =	vtrunc.f32 v53;
	v11 =	vcvt.f32.s32 v11;
	v18 =	vadd.s32 v0, v14;
	[tilespmem:v30+s11+$0x0] =	vst.idx.add.f32.msk $0xffff, v21  }
0xcc: {  	v25 =	vadd.s32 v2, v14;
	v26 =	vadd.s32 v2, v23;
	v21 =	vtrunc.f32 v3;
	[tilespmem:v10+s11+$0x0] =	vst.idx.add.f32.msk $0xffff, v31  }
0xcd: {  	v27 =	vadd.s32 v0, v23;
	v14 =	vcvt.s32.f32 v14;
	v10 =	vtrunc.f32 v15;
	[tilespmem:v49+s11+$0x0] =	vst.idx.add.f32.msk $0xffff, v41  }
0xce: {  	v29 =	vtrunc.f32 v22;
	v28 =	vsub.f32 $1.000000000e+00, v20;
	v30 =	vcvt.f32.s32 v9;
	[tilespmem:v17+s11+$0x0] =	vst.idx.add.f32.msk $0xffff, v7  }
0xcf: {  	v14 =	vsub.f32 v52, v14;
	v7 =	vcvt.f32.s32 v29;
	v29 =	vadd.s32 v2, v11;
	[tilespmem:v42+s11+$0x0] =	vst.idx.add.f32.msk $0xffff, v24  }
0xd0: {  	v31 =	vadd.s32 v0, v11;
	v17 =	vcvt.s32.f32 v23;
	v24 =	vtrunc.f32 v6;
	[tilespmem:v43+s11+$0x0] =	vst.idx.add.f32.msk $0xffff, v36  }
0xd1: {  	v9 =	vcvt.f32.s32 v21;
	v21 =	vsub.f32 $1.000000000e+00, v14;
	v23 =	vcvt.s32.f32 v7;
	[tilespmem:v46+s11+$0x0] =	vst.idx.add.f32.msk $0xffff, v37  }
0xd2: {  	v33 =	vtrunc.f32 v5;
	v34 =	vadd.s32 v0, v30;
	v19 =	vsub.f32 v19, v17;
	[tilespmem:v8+s11+$0x0] =	vst.idx.add.f32.msk $0xffff, v28  }
0xd3: {  	v11 =	vcvt.s32.f32 v11;
	v8 =	vtrunc.f32 v16;
	[tilespmem:v12+s11+$0x0] =	vst.idx.add.f32.msk $0xffff, v20  }
0xd4: {  	v35 =	vcvt.f32.s32 v8;
	v12 =	vcvt.f32.s32 v10;
	v20 =	vsub.f32 $1.000000000e+00, v19;
	[tilespmem:v18+s11+$0x0] =	vst.idx.add.f32.msk $0xffff, v21  }
0xd5: {  	v36 =	vsub.f32 v44, v11;
	v8 =	vtrunc.f32 v13;
	v10 =	vadd.s32 v0, v7;
	[tilespmem:v25+s11+$0x0] =	vst.idx.add.f32.msk $0xffff, v14  }
0xd6: {  	v11 =	vcvt.s32.f32 v30;
	v30 =	vadd.s32 v2, v30;
	v14 =	vcvt.s32.f32 v35;
	v28 =	vld [tilespmem:s21+$0x0]  }
0xd7: {  	v17 =	vcvt.f32.s32 v8;
	v8 =	vadd.s32 v2, v7;
	v7 =	vsub.f32 $1.000000000e+00, v36;
	v21 =	vld [tilespmem:s21+$0xFFFFFFD0]  }
0xd8: {  	v37 =	vtrunc.f32 v4;
	v38 =	vsub.f32 v53, v11;
	v18 =	vadd.s32 v0, v35;
	[tilespmem:v27+s11+$0x0] =	vst.idx.add.f32.msk $0xffff, v20  }
0xd9: {  	v32 =	vcvt.f32.s32 v24;
	v11 =	vsub.f32 v22, v23;
	v25 =	vcvt.s32.f32 v17;
	[tilespmem:v31+s11+$0x0] =	vst.idx.add.f32.msk $0xffff, v7  }
0xda: {  	v27 =	vadd.s32 v0, v17;
	v20 =	vsub.f32 v16, v14;
	v16 =	vsub.f32 $1.000000000e+00, v38;
	[tilespmem:v29+s11+$0x0] =	vst.idx.add.f32.msk $0xffff, v36  }
.Ltmp3:
0xdb: {  	v7 =	vsub.f32 v13, v25;
	v25 =	vadd.s32 v2, v35;
	v24 =	vld [tilespmem:s21+$0xFFFFFFB0];
	v13 =	vtrunc.f32 v28;
	(pc) =	sbr.rel @p0 .LBB2_10-.Ltmp3, $4  }
0xdc: {  	v14 =	vcvt.f32.s32 v33;
	v35 =	vcvt.s32.f32 v12;
	v29 =	vsub.f32 $1.000000000e+00, v20;
	[tilespmem:v34+s11+$0x0] =	vst.idx.add.f32.msk $0xffff, v16  }
0xdd: {  	v16 =	vsub.f32 $1.000000000e+00, v7;
	v22 =	vtrunc.f32 v21;
	v33 =	vcvt.f32.s32 v13;
	[tilespmem:v30+s11+$0x0] =	vst.idx.add.f32.msk $0xffff, v38  }
0xde: {  	v23 =	vadd.s32 v2, v32;
	v31 =	vcvt.s32.f32 v14;
	v30 =	vcvt.f32.s32 v22;
	[tilespmem:v26+s11+$0x0] =	vst.idx.add.f32.msk $0xffff, v19  }
0xdf: {  	s21 =	sadd.s32 $0x100, s21;
	v22 =	vcvt.f32.s32 v37;
	v26 =	vsub.f32 v15, v35;
	[tilespmem:v27+s11+$0x0] =	vst.idx.add.f32.msk $0xffff, v16;
	v27 =	vsub.f32 $1.000000000e+00, v11  }
0xe0: {  	_ =	sdelay $0x2  }
0xe1: {  	v13 =	vadd.s32 v0, v12  }
0xe2: {  	v16 =	vadd.s32 v0, v33;
	[tilespmem:v18+s11+$0x0] =	vst.idx.add.f32.msk $0xffff, v29;
	v52 =	vadd.s32 v0, v14  }
0xe3: {  	v15 =	vcvt.s32.f32 v33;
	v5 =	vsub.f32 v5, v31;
	v58 =	vadd.s32 v2, v17;
	[tilespmem:v25+s11+$0x0] =	vst.idx.add.f32.msk $0xffff, v20  }
0xe4: {  	v34 =	vcvt.s32.f32 v9;
	v35 =	vcvt.s32.f32 v32;
	v19 =	vsub.f32 $1.000000000e+00, v26;
	[tilespmem:v10+s11+$0x0] =	vst.idx.add.f32.msk $0xffff, v27  }
0xe5: {  	v41 =	vadd.s32 v0, v9;
	v15 =	vsub.f32 v28, v15;
	v57 =	vsub.f32 $1.000000000e+00, v5;
	[tilespmem:v8+s11+$0x0] =	vst.idx.add.f32.msk $0xffff, v11  }
0xe6: {  	v42 =	vadd.s32 v0, v32;
	v3 =	vsub.f32 v3, v34;
	[tilespmem:v13+s11+$0x0] =	vst.idx.add.f32.msk $0xffff, v19  }
0xe7: {  	v44 =	vadd.s32 v2, v9;
	v6 =	vsub.f32 v6, v35;
	v43 =	vsub.f32 $1.000000000e+00, v15;
	[tilespmem:v52+s11+$0x0] =	vst.idx.add.f32.msk $0xffff, v57  }
0xe8: {  	v48 =	vadd.s32 v2, v12;
	v45 =	vsub.f32 $1.000000000e+00, v3;
	[tilespmem:v58+s11+$0x0] =	vst.idx.add.f32.msk $0xffff, v7  }
0xe9: {  	v55 =	vadd.s32 v2, v14;
	v46 =	vsub.f32 $1.000000000e+00, v6;
	[tilespmem:v16+s11+$0x0] =	vst.idx.add.f32.msk $0xffff, v43  }
0xea: {  	[tilespmem:v41+s11+$0x0] =	vst.idx.add.f32.msk $0xffff, v45  }
0xeb: {  	v50 =	vadd.s32 v2, v33;
	v59 =	vcvt.s32.f32 v22;
	[tilespmem:v42+s11+$0x0] =	vst.idx.add.f32.msk $0xffff, v46  }
0xec: {  	v47 =	vcvt.s32.f32 v30;
	v60 =	vadd.s32 v0, v22;
	[tilespmem:v44+s11+$0x0] =	vst.idx.add.f32.msk $0xffff, v3;
	v3 =	vtrunc.f32 v24  }
0xed: {  	v62 =	vadd.s32 v2, v22;
	v4 =	vsub.f32 v4, v59;
	[tilespmem:v48+s11+$0x0] =	vst.idx.add.f32.msk $0xffff, v26;
	v3 =	vcvt.f32.s32 v3  }
0xee: {  	v49 =	vadd.s32 v0, v30;
	v53 =	vadd.s32 v2, v30;
	[tilespmem:v55+s11+$0x0] =	vst.idx.add.f32.msk $0xffff, v5  }
0xef: {  	v13 =	vsub.f32 v21, v47;
	v63 =	vsub.f32 $1.000000000e+00, v4;
	[tilespmem:v23+s11+$0x0] =	vst.idx.add.f32.msk $0xffff, v6;
	v54 =	vcvt.s32.f32 v3  }
0xf0: {  	s17 =	sadd.s32 $0x1, s17;
	[tilespmem:v50+s11+$0x0] =	vst.idx.add.f32.msk $0xffff, v15;
	v56 =	vadd.s32 v0, v3  }
0xf1: {  	p0 =	sne.s32 s17, $0x4;
	v51 =	vsub.f32 $1.000000000e+00, v13;
	[tilespmem:v60+s11+$0x0] =	vst.idx.add.f32.msk $0xffff, v63;
	v3 =	vadd.s32 v2, v3;
	v12 =	vsub.f32 v24, v54  }
.Ltmp4:
0xf2: {  	[tilespmem:v62+s11+$0x0] =	vst.idx.add.f32.msk $0xffff, v4;
	(pc) =	sbr.rel @p0 .LBB2_7-.Ltmp4, $4  }
0xf3: {  	[tilespmem:v49+s11+$0x0] =	vst.idx.add.f32.msk $0xffff, v51;
	v61 =	vsub.f32 $1.000000000e+00, v12  }
0xf4: {  	[tilespmem:v53+s11+$0x0] =	vst.idx.add.f32.msk $0xffff, v13  }
0xf5: {  	[tilespmem:v56+s11+$0x0] =	vst.idx.add.f32.msk $0xffff, v61  }
0xf6: {  	[tilespmem:v3+s11+$0x0] =	vst.idx.add.f32.msk $0xffff, v12  }
0xf7: {  	s16 =	smul.u32 $0xC06, s16;
	s15 =	sadd.s32 $0x1, s15  }
0xf8: {  	p0 =	sne.s32 s15, $0x14  }
.Ltmp5:
0xf9: {  	s16 =	sadd.s32 s4, s16;
	(pc) =	sbr.rel @p0 .LBB2_2-.Ltmp5, $4  }
0xfa: {  	[hbm4b:s16+s2] =	stream.linear.scatter [tilespmem:s11], [sflag:$0x3], $0x6030, $0x38;
	[tilespmem:$0xE030] =	vst v63  }
0xfb: {  	_ =	swait.ge [sflag:s13], $0x6030  }
0xfc: {  	[sflag:s13] =	ssyncset.done $0x0  }
0xfd: {  	[sflag:s13] =	ssyncadd.s32 $0xFFFF9FD0  }
0xfe: {  	s14 =	sadd.s32 $0x1, s14  }
0xff: {  	p0 =	sne.s32 s14, s6  }
.Ltmp6:
0x100: {  	_ = 	snop;
	(pc) =	sbr.rel @p0 .LBB2_1-.Ltmp6, $1  }
0x101: {  	_ =	sdelay $0x3  }
0x102: {  	_ =	sfence.sel $0x180000  }
0x103: {  	[bflag:$0x0] =	sbarrier.arrive $0xFFFF  }
0x104: {  	p0 =	sne.s32 s1, $0x0;
	_ =	strace $0x90000050  }
0x105: {  	s0 =	sadd.s32 @!p0 $0x100000, s0;
	[bflag:$0x2] =	sbarrier.arrive $0xFFFF  }
0x106: {  	[sflag:s0] =	ssyncadd.tile.s32 @!p0 $0x1;
	_ =	shalt  }
.Lfunc_end2:
_tile_overlayer_lowered:
.L_overlay_start_2:
0x107: {  	(tag) =	ssettag $0x2  }
0x108: {  	s0 =	rddreg [dreg:$0x0];
	s2 =	stileid.u32  }
0x109: {  	s1 =	rddreg [dreg:$0x1];
	p0 =	sne.s32 s2, $0x0  }
0x10a: {  	s3 =	rddreg [dreg:$0x2];
	[bflag:$0x3] =	sbarrier.arrive $0xFFFF;
	s2 =	simm.s32 @!p0 $0x1C03  }
0x10b: {  	[timem:s3], [sflag:s2] =	dma.local @!p0 [hbm:s0], s1  }
0x10c: {  	s0 =	simm.s32 @!p0 $0x3  }
0x10d: {  	_ =	swait.ge @!p0 [sflag:s0], s1  }
0x10e: {  	s1 =	ssub.s32 @!p0 $0x0, s1;
	[sflag:s0] =	ssyncset.done @!p0 $0x0  }
0x10f: {  	[sflag:s0] =	ssyncadd.s32 @!p0 s1  }
0x110: {  	[bflag:$0x3] =	sbarrier.arrive $0xFFFF  }
0x111: {  	_ =	shalt  }

// kernel: sparse-core-data-format-call.cloned.1.call-start
scs
called_computation_lowered:
.L_overlay_start_0:
0x0: {  	s1 =	sld [smem:$0x3FD9]  }
0x1: {  	s2 =	sld [smem:$0x3FFE];
	_ =	sdelay $0x1  }
0x2: {  	s3 =	srdreg.scid  }
0x3: {  	s0 =	sand.u32 $0x1, s3  }
0x4: {  	s17 =	sshll.u32 s0, $0xA;
	s1 =	sadd.s32 s2, s1  }
0x5: {  	s1 =	sadd.s32 s1, s17  }
0x6: {  	[smem:$0x3FC5] =	sst s1  }
0x7: {  	_ = 	snop  }
0x8: {  	(tm) =	ssettm $0x1  }
0x9: {  	s18 =	sld [smem:$0x3FFB];
	_ =	sdelay $0x3  }
0xa: {  	_ =	strace s18  }
0xb: {  	s1 =	sld [smem:$0x3FFC];
	_ =	sdelay $0x3  }
0xc: {  	_ =	strace s1  }
0xd: {  	s1 =	sld [smem:$0x3FFD];
	_ =	sdelay $0x3  }
0xe: {  	_ =	strace s1  }
0xf: {  	_ =	strace $0x8FFFFFFF  }
0x10: {  	s19 =	sld [smem:$0x3FDB];
	_ =	sdelay $0x1  }
0x11: {  	s20 =	simm.s32 $_scs_section_size  }
0x12: {  	s4 =	simm.s32 $_size__tile_overlayer_lowered;
	s5 =	simm.s32 $_tile_overlayer_lowered  }
0x13: {  	s23 =	simm.s32 $0x1BFF;
	s22 =	sshll.u32 s5, $0x1;
	s1 =	sadd.s32 s20, s19  }
0x14: {  	s6 =	simm.s32 $0x0;
	s21 =	sshll.u32 s4, $0x1;
	s4 =	sadd.s32 s22, s1  }
0x15: {  	[timem:s6], [sflag:s23] =	dma.local [hbm:s4], s21  }
0x16: {  	_ =	swait.ge [sflag:s23], s21  }
0x17: {  	s2 =	ssub.s32 $0x0, s21;
	[sflag:s23] =	ssyncset.done $0x0  }
0x18: {  	[sflag:s23] =	ssyncadd.s32 s2;
	_ =	sdelay $0x1  }
0x19: {  	s24 =	simm.s32 $0x1B8B  }
0x1a: {  	_ =	swait.ge [sflag:s24], $0x1  }
0x1b: {  	[sflag:s24] =	ssyncset.done $0x0  }
0x1c: {  	s26 =	simm.s32 $0x1B8E;
	s25 =	sld [smem:$0x3FFE];
	[sflag:s24] =	ssyncadd.s32 $0xFFFFFFFF  }
0x1d: {  	s27 =	simm.s32 $execute0_lowered;
	[smem:$0x3FD2] =	sst s26  }
0x1e: {  	s4 =	sshll.u32 s27, $0x1;
	_ =	strace $0x8000004C;
	[dreg:$0x1] =	wrdreg $0xFFFFFFFF  }
0x1f: {  	s28 =	simm.s32 $_size_execute0_lowered;
	s1 =	sadd.s32 s1, s4;
	[dreg:$0x0] =	wrdreg $0x0  }
0x20: {  	s4 =	sshll.u32 s28, $0x1;
	[dreg:$0x2] =	wrdreg s1  }
0x21: {  	[dreg:$0x3] =	wrdreg s4  }
0x22: {  	[dreg:$0x4] =	wrdreg $0xC0  }
0x23: {  	_ =	task [dreg:s6], $0x5FFFF  }
0x24: {  	[dreg:$0x1] =	wrdreg $0xFFFFFFFF  }
0x25: {  	[dreg:$0x0] =	wrdreg $0x60  }
0x26: {  	[dreg:$0x2] =	wrdreg s25  }
0x27: {  	[dreg:$0x3] =	wrdreg $0x9  }
0x28: {  	_ =	task.clear_ibuf [dreg:s6], $0x4FFFF;
	_ =	strace $0x9000004C  }
0x29: {  	s29 =	simm.s32 $0x9;
	_ =	strace $0x8000004E  }
0x2a: {  	_ =	swait.ge [sflag:s29], $0x1  }
0x2b: {  	[sflag:s29] =	ssyncadd.s32 $0xFFFFFFFF  }
0x2c: {  	_ =	strace $0x9000004E  }
0x2d: {  	_ =	sfence  }
0x2e: {  	s30 =	sld [smem:$0x0];
	_ =	sdelay $0x2  }
0x2f: {  	s31 =	sshll.u32 s3, $0xD;
	s3 =	sshrl.u32 s3, $0x2  }
0x30: {  	s2 =	sand.u32 $0x4000, s31;
	s1 =	sadd.s32 s3, s30  }
0x31: {  	s0 =	sor.u32 s2, s0;
	s1 =	sshll.u32 s1, $0x11  }
0x32: {  	s0 =	sor.u32 s1, s0  }
0x33: {  	s0 =	sadd.s32 $0x8F2B, s0  }
0x34: {  	[sflag:s0] =	ssyncadd.remote.s32 $0x1  }
0x35: {  	_ =	sfence.sel $0xFFFF  }
0x36: {  	[dreg:$0x0] =	wrdreg $0xFFFFFFFF;
	(pc) =	sbr.abs _section_cstart, $3  }
0x37: {  	[dreg:$0x1] =	wrdreg $0xFFFFFFFF  }
0x38: {  	_ =	task.clear_ibuf [dreg:s6], $0x2FFFF;
	_ =	strace $0x9FFFFFFF  }
0x39: {  	(tm) =	ssettm $0x7FFFFFFF  }
tec
execute0_lowered:
.L_overlay_start_1:
0x0: {  	(tag) =	ssettag $0x1  }
0x1: {  	s1 =	rddreg [dreg:$0x0]  }
0x2: {  	s0 =	rddreg [dreg:$0x1]  }
0x3: {  	_ =	strace $0x8000004D;
	s4 =	srdreg.scid;
	s6 =	simm.s32 $0x2  }
0x4: {  	s11 =	simm.s32 $0x0;
	p0 =	por $0x0, $0x0;
	s7 =	simm.s32 $0x2800  }
.Ltmp0:
0x5: {  	s12 =	simm.s32 $0x0;
	s9 =	simm.s32 $0x0;
	(pc) =	sbr.rel .LBB1_1-.Ltmp0, $4  }
0x6: {  	s2 =	sadd.s32 $0xD9200, s1;
	s3 =	sadd.s32 $0xAD9200, s1;
	s5 =	sshll.u32 s4, $0x4  }
0x7: {  	s1 =	stileid.u32;
	s4 =	simm.s32 $0x1;
	s5 =	sand.u32 $0x10, s5  }
0x8: {  	s8 =	simm.s32 $0x0;
	[sflag:s4] =	ssyncpa.u1 $0x0;
	s5 =	sor.u32 s1, s5  }
0x9: {  	[sflag:s6] =	ssyncpa.u1 $0x0;
	s6 =	simm.s32 $0x800;
	s10 =	smov.u32 s5  }
.LBB1_7:
0xa: {  	s13 =	sadd.s32 $0x10, s9  }
0xb: {  	s11 =	sadd.s32 $0x20, s10;
	s15 =	smov.u32 s10;
	p2 =	sgt.s32 s13, $0x4F  }
0xc: {  	p1 =	slt.u32 s8, $0x2;
	s15 =	smov.u32 @p2 s11  }
0xd: {  	s8 =	sadd.s32 $0x1, s8;
	s13 =	simm.s32 @p2 $0x0;
	p2 =	sgt.s32 s15, $0x3FF  }
0xe: {  	s15 =	smov.u32 @p2 s5;
	p2 =	sne.s32 s8, $0xA2  }
.Ltmp1:
0xf: {  	_ = 	snop;
	(pc) =	sbr.rel @!p2 .LBB1_8-.Ltmp1, $4  }
0x10: {  	s14 =	simm.s32 @!p1 $0x2  }
0x11: {  	s12 =	smov.u32 s10;
	_ =	swait.ge @!p1 [sflag:s14], $0x4000  }
0x12: {  	p0 =	por !p0, !p0;
	s11 =	smov.u32 s9;
	[sflag:s14] =	ssyncset.done @!p1 $0x0  }
0x13: {  	s9 =	smov.u32 s13;
	[sflag:s14] =	ssyncadd.s32 @!p1 $0xFFFFC000;
	s10 =	smov.u32 s15  }
.LBB1_1:
0x14: {  	p1 =	sgt.u32 s8, $0x9F  }
0x15: {  	s13 =	smul.u32 @!p1 $0x2800, s10  }
0x16: {  	s14 =	sxor.u32 @!p1 $0xFFFFFFFF, s8  }
0x17: {  	s15 =	sshll.u32 @!p1 s9, $0x7;
	s14 =	sshll.u32 @!p1 s14, $0xE;
	s13 =	sadd.s32 @!p1 s2, s13  }
0x18: {  	s14 =	sand.u32 @!p1 $0x4000, s14;
	s13 =	sadd.s32 @!p1 s15, s13;
	s15 =	simm.s32 @!p1 $0x0  }
0x19: {  	[tilespmem:s14], [sflag:$0x1] =	stream.linear.gather @!p1 [hbm4b:s13+s15], $0x4000, $0x38;
	[tilespmem:$0x10000] =	vst v63  }
0x1a: {  	p1 =	seq.s32 s8, $0x0  }
0x1b: {  	p2 =	seq.s32 @!p1 s8, $0xA1  }
0x1c: {  	p1 =	por p1, p2  }
.Ltmp2:
0x1d: {  	_ = 	snop;
	(pc) =	sbr.rel @p1 .LBB1_7-.Ltmp2, $1  }
0x1e: {  	_ =	sdelay $0x3  }
0x1f: {  	s13 =	simm.s32 $0x1;
	_ =	swait.ge [sflag:s4], $0x4000;
	s16 =	sshll.u32 s8, $0xE  }
0x20: {  	s13 =	simm.s32 @!p0 $0x0;
	[sflag:s4] =	ssyncset.done $0x0;
	s31 =	sand.u32 $0x4000, s16  }
0x21: {  	s16 =	simm.s32 $0x0;
	s13 =	sshll.u32 s13, $0xE;
	[sflag:s4] =	ssyncadd.s32 $0xFFFFC000  }
0x22: {  	s14 =	sor.u32 $0x8040, s13;
	s15 =	sor.u32 $0x40, s13;
	s13 =	sor.u32 $0x8000, s31  }
.LBB1_3:
0x23: {  	v0 =	vmov s15;
	_ =	sdelay $0x3  }
0x24: {  	s18 =	simm.s32 $0x0  }
0x25: {  	v6 =	vld.idx.msk [tilespmem:v0+s18+$0x30 ss:$0x1], $0xffff  }
0x26: {  	v7 =	vld.idx.msk [tilespmem:v0+s18+$0xFFFFFFC0 ss:$0x1], $0xffff  }
0x27: {  	v5 =	vld.idx.msk [tilespmem:v0+s18+$0xFFFFFFD0 ss:$0x1], $0xffff  }
0x28: {  	v4 =	vld.idx.msk [tilespmem:v0+s18+$0xFFFFFFE0 ss:$0x1], $0xffff  }
0x29: {  	v3 =	vld.idx.msk [tilespmem:v0+s18+$0xFFFFFFF0 ss:$0x1], $0xffff  }
0x2a: {  	v1 =	vld.idx.msk [tilespmem:v0+s18+$0x0 ss:$0x1], $0xffff  }
0x2b: {  	v2 =	vld.idx.msk [tilespmem:v0+s18+$0x10 ss:$0x1], $0xffff;
	[tilespmem:s14+$0x30] =	vst v6  }
0x2c: {  	s17 =	simm.s32 $0x80;
	s19 =	simm.s32 $0x400;
	[tilespmem:s14+$0xFFFFFFC0] =	vst v7;
	v6 =	vld.idx.msk [tilespmem:v0+s18+$0x20 ss:$0x1], $0xffff;
	s18 =	smov.u32 s14  }
.LBB1_4:
0x2d: {  	p1 =	sne.s32 s19, $0xE00;
	v7 =	vld.idx.msk [tilespmem:v0+s17+$0x30 ss:$0x1], $0xffff;
	[tilespmem:s18+$0xFFFFFFD0] =	vst v5  }
0x2e: {  	v8 =	vld.idx.msk [tilespmem:v0+s17+$0xFFFFFFC0 ss:$0x1], $0xffff;
	[tilespmem:s18+$0xFFFFFFE0] =	vst v4  }
0x2f: {  	v5 =	vld.idx.msk [tilespmem:v0+s17+$0xFFFFFFD0 ss:$0x1], $0xffff;
	[tilespmem:s18+$0xFFFFFFF0] =	vst v3  }
.Ltmp3:
0x30: {  	v4 =	vld.idx.msk [tilespmem:v0+s17+$0xFFFFFFE0 ss:$0x1], $0xffff;
	[tilespmem:s18+$0x0] =	vst v1;
	(pc) =	sbr.rel @p1 .LBB1_4-.Ltmp3, $4  }
0x31: {  	v3 =	vld.idx.msk [tilespmem:v0+s17+$0xFFFFFFF0 ss:$0x1], $0xffff;
	[tilespmem:s18+$0x10] =	vst v2  }
0x32: {  	v1 =	vld.idx.msk [tilespmem:v0+s17+$0x0 ss:$0x1], $0xffff;
	[tilespmem:s18+$0x20] =	vst v6;
	s18 =	sadd.s32 $0x800, s18  }
0x33: {  	v2 =	vld.idx.msk [tilespmem:v0+s17+$0x10 ss:$0x1], $0xffff;
	[tilespmem:s18+$0x30] =	vst v7  }
0x34: {  	[tilespmem:s18+$0xFFFFFFC0] =	vst v8;
	v6 =	vld.idx.msk [tilespmem:v0+s17+$0x20 ss:$0x1], $0xffff;
	s17 =	sshra.s32 s19, $0x2;
	s19 =	sadd.s32 $0x200, s19  }
0x35: {  	_ =	sdelay $0x2  }
0x36: {  	[tilespmem:s18+$0xFFFFFFD0] =	vst v5  }
0x37: {  	v56 =	vld.idx.msk [tilespmem:v0+s17+$0x30 ss:$0x1], $0xffff;
	[tilespmem:s18+$0xFFFFFFE0] =	vst v4  }
0x38: {  	v57 =	vld.idx.msk [tilespmem:v0+s17+$0xFFFFFFC0 ss:$0x1], $0xffff;
	[tilespmem:s18+$0xFFFFFFF0] =	vst v3  }
0x39: {  	v58 =	vld.idx.msk [tilespmem:v0+s17+$0xFFFFFFD0 ss:$0x1], $0xffff;
	[tilespmem:s18+$0x0] =	vst v1  }
0x3a: {  	v59 =	vld.idx.msk [tilespmem:v0+s17+$0xFFFFFFE0 ss:$0x1], $0xffff;
	[tilespmem:s18+$0x10] =	vst v2  }
0x3b: {  	v60 =	vld.idx.msk [tilespmem:v0+s17+$0xFFFFFFF0 ss:$0x1], $0xffff;
	s31 =	sadd.s32 $0x800, s18;
	[tilespmem:s18+$0x20] =	vst v6  }
0x3c: {  	v61 =	vld.idx.msk [tilespmem:v0+s17+$0x0 ss:$0x1], $0xffff;
	[tilespmem:s31+$0x30] =	vst v56  }
0x3d: {  	v62 =	vld.idx.msk [tilespmem:v0+s17+$0x10 ss:$0x1], $0xffff;
	s16 =	sadd.s32 $0x1, s16;
	[tilespmem:s31+$0xFFFFFFC0] =	vst v57  }
0x3e: {  	v63 =	vld.idx.msk [tilespmem:v0+s17+$0x20 ss:$0x1], $0xffff;
	p1 =	sne.s32 s16, $0x10;
	[tilespmem:s31+$0xFFFFFFD0] =	vst v58  }
.Ltmp4:
0x3f: {  	[tilespmem:s31+$0xFFFFFFE0] =	vst v59;
	(pc) =	sbr.rel @p1 .LBB1_3-.Ltmp4, $4  }
0x40: {  	[tilespmem:s31+$0xFFFFFFF0] =	vst v60  }
0x41: {  	[tilespmem:s31+$0x0] =	vst v61  }
0x42: {  	[tilespmem:s31+$0x10] =	vst v62  }
0x43: {  	s14 =	sadd.s32 $0x80, s14;
	s15 =	sadd.s32 $0x400, s15;
	[tilespmem:s31+$0x20] =	vst v63  }
0x44: {  	s11 =	sand.u32 $0x1FFFFFF, s11  }
0x45: {  	s14 =	smulhi.u32 $0x3333334, s11  }
0x46: {  	s12 =	smul.u32 $0x2800, s12  }
0x47: {  	s14 =	smul.u32 $0x50, s14  }
.Ltmp5:
0x48: {  	_ = 	snop;
	(pc) =	sbr.rel .LBB1_7-.Ltmp5, $4  }
0x49: {  	s11 =	ssub.s32 s11, s14  }
0x4a: {  	s12 =	sadd.s32 s3, s12;
	s11 =	sshll.u32 s11, $0x4  }
0x4b: {  	s11 =	sadd.s32 s11, s12  }
0x4c: {  	[hbm4b:s11+s6] =	stream.strided.scatter [tilespmem:s13], [sflag:$0x2], $0x4000, s7, s6, $0x38;
	[tilespmem:$0x10000] =	vst v63  }
.LBB1_8:
0x4d: {  	_ =	sfence.sel $0x180000  }
0x4e: {  	s2 =	simm.s32 $0x1;
	[bflag:$0x0] =	sbarrier.arrive $0xFFFF  }
0x4f: {  	s31 =	simm.s32 $0x2;
	[sflag:s2] =	ssyncpa.u1 $0x1  }
0x50: {  	[sflag:s31] =	ssyncpa.u1 $0x1  }
0x51: {  	p0 =	sne.s32 s1, $0x0;
	_ =	strace $0x9000004D  }
0x52: {  	s0 =	sadd.s32 @!p0 $0x100000, s0;
	[bflag:$0x2] =	sbarrier.arrive $0xFFFF  }
0x53: {  	[sflag:s0] =	ssyncadd.tile.s32 @!p0 $0x1;
	_ =	shalt  }
.Lfunc_end1:
_tile_overlayer_lowered:
.L_overlay_start_2:
0x54: {  	(tag) =	ssettag $0x2  }
0x55: {  	s0 =	rddreg [dreg:$0x0];
	s2 =	stileid.u32  }
0x56: {  	s1 =	rddreg [dreg:$0x1];
	p0 =	sne.s32 s2, $0x0  }
0x57: {  	s3 =	rddreg [dreg:$0x2];
	[bflag:$0x3] =	sbarrier.arrive $0xFFFF;
	s2 =	simm.s32 @!p0 $0x1C01  }
0x58: {  	[timem:s3], [sflag:s2] =	dma.local @!p0 [hbm:s0], s1  }
0x59: {  	s0 =	simm.s32 @!p0 $0x1  }
0x5a: {  	_ =	swait.ge @!p0 [sflag:s0], s1  }
0x5b: {  	s1 =	ssub.s32 @!p0 $0x0, s1;
	[sflag:s0] =	ssyncset.done @!p0 $0x0  }
0x5c: {  	[sflag:s0] =	ssyncadd.s32 @!p0 s1  }
0x5d: {  	[bflag:$0x3] =	sbarrier.arrive $0xFFFF  }
0x5e: {  	_ =	shalt  }

</sc_bundles>
